<compile_context>
chip_gen: v7x
topology: tpu7x:2x2x1
jax: 0.10.2.dev20260603
libtpu: 0.0.44.dev20260713+nightly
codegen_flags: <defaults>
</compile_context>

<pallas_src>
import functools
import math

import jax
import jax.numpy as jnp
from jax import lax
from jax.experimental import pallas as pl
from jax.experimental.pallas import tpu as pltpu
from jax.experimental.pallas import tpu_sc as plsc

D_MODEL = 768
D_SCORE = 192
D_DETAIL = 384
B = 4
S = 8192
K = 32

S_BLK = 2048
N_BLKS = (B * S) // S_BLK

MASK_BASE = -3.0e38
MASK_STEP = 4.0e33
MASK_THRESH = -1.0e38
NEG_INF = float("-inf")

_SQRT2 = math.sqrt(2.0)


def _gelu_exact(x):
    return 0.5 * x * (1.0 + lax.erf(x / _SQRT2))



def _scorer_body(h_ref, m_ref, w1_ref, b1_ref, w2_ref, b2_ref, out_ref):
    i = pl.program_id(0)
    h = h_ref[0]
    s = jnp.dot(h, w1_ref[...], preferred_element_type=jnp.float32)
    s = _gelu_exact(s + b1_ref[...])
    sc = jnp.dot(s, w2_ref[...], preferred_element_type=jnp.float32)
    sc = sc + b2_ref[0, 0]
    j = lax.rem(i, S // S_BLK)
    pos = (lax.broadcasted_iota(jnp.int32, (S_BLK, 1), 0) + S_BLK * j).astype(jnp.float32)
    masked_val = MASK_BASE - pos * MASK_STEP
    out_ref[...] = jnp.where(m_ref[...] == 0.0, masked_val, sc)


def _run_scorer(hidden, attention_mask, Ws1, bs1, Ws2, bs2):
    h3 = hidden.reshape(N_BLKS, S_BLK, D_MODEL)
    mf = attention_mask.astype(jnp.float32).reshape(B * S, 1)
    scores = pl.pallas_call(
        _scorer_body,
        grid=(N_BLKS,),
        in_specs=[
            pl.BlockSpec((1, S_BLK, D_MODEL), lambda i: (i, 0, 0)),
            pl.BlockSpec((S_BLK, 1), lambda i: (i, 0)),
            pl.BlockSpec((D_MODEL, D_SCORE), lambda i: (0, 0)),
            pl.BlockSpec((1, D_SCORE), lambda i: (0, 0)),
            pl.BlockSpec((D_SCORE, 1), lambda i: (0, 0)),
            pl.BlockSpec(memory_space=pltpu.SMEM),
        ],
        out_specs=pl.BlockSpec((S_BLK, 1), lambda i: (i, 0)),
        out_shape=jax.ShapeDtypeStruct((B * S, 1), jnp.float32),
    )(h3, mf, Ws1, bs1.reshape(1, D_SCORE), Ws2, bs2.reshape(1, 1))
    return scores.reshape(B * S)



CHUNK = 1024
SUBS_PER_BATCH = 8
G = 8
GROUP = CHUNK // G
L = 16

_LANE_IOTA = None


def _sc_body(scores_hbm, hidden_hbm, sel_out, mask_out,
             buf, l1v, l1i, locv, loci, mrgv, mrgi, finv, fini, dmask,
             gidx, rows, shv, shi, shfi, sem):
    c = lax.axis_index("c")
    s = lax.axis_index("s")
    b_local = s // SUBS_PER_BATCH
    chunk = lax.rem(s, SUBS_PER_BATCH)
    b = 2 * c + b_local
    offset = b * S + chunk * CHUNK

    lane = lax.broadcasted_iota(jnp.int32, (L,), 0)
    lane0 = lane == 0

    pltpu.sync_copy(scores_hbm.at[pl.ds(offset, CHUNK)], buf)

    for g in range(G):
        base = g * GROUP
        val = buf[pl.ds(base, L)]
        idx = lane + (offset + base)
        for r in range(1, GROUP // L):
            v2 = buf[pl.ds(base + r * L, L)]
            i2 = lane + (offset + base + r * L)
            take = v2 > val
            val = jnp.where(take, v2, val)
            idx = jnp.where(take, i2, idx)
        l1v[pl.ds(g * L, L)] = val
        l1i[pl.ds(g * L, L)] = idx

    def _extract(t, _):
        val = l1v[pl.ds(0, L)]
        idx = l1i[pl.ds(0, L)]
        for g in range(1, G):
            v2 = l1v[pl.ds(g * L, L)]
            i2 = l1i[pl.ds(g * L, L)]
            take = v2 > val
            val = jnp.where(take, v2, val)
            idx = jnp.where(take, i2, idx)
        m = jnp.max(val)
        win = jnp.min(jnp.where(val == m, idx, jnp.int32(2**31 - 1)))
        plsc.store_scatter(locv, [jnp.full((L,), t, jnp.int32)],
                           jnp.full((L,), m, jnp.float32), mask=lane0)
        plsc.store_scatter(loci, [jnp.full((L,), t, jnp.int32)],
                           jnp.full((L,), win, jnp.int32), mask=lane0)
        p = win - offset
        plsc.store_scatter(buf, [jnp.full((L,), p, jnp.int32)],
                           jnp.full((L,), NEG_INF, jnp.float32), mask=lane0)
        g = p // GROUP
        gbase = g * GROUP
        nval = buf[pl.ds(gbase, L)]
        nidx = lane + (offset + gbase)
        for r in range(1, GROUP // L):
            v2 = buf[pl.ds(gbase + r * L, L)]
            i2 = lane + (offset + gbase + r * L)
            take = v2 > nval
            nval = jnp.where(take, v2, nval)
            nidx = jnp.where(take, i2, nidx)
        l1v[pl.ds(g * L, L)] = nval
        l1i[pl.ds(g * L, L)] = nidx
        return 0

    lax.fori_loop(0, K, _extract, 0)

    pltpu.sync_copy(locv, shv.at[pl.ds(s * K, K)])
    pltpu.sync_copy(loci, shi.at[pl.ds(s * K, K)])
    plsc.subcore_barrier()

    @pl.when(lax.rem(s, SUBS_PER_BATCH) == 0)
    def _merge():
        s0 = b_local * SUBS_PER_BATCH
        pltpu.sync_copy(shv.at[pl.ds(s0 * K, SUBS_PER_BATCH * K)], mrgv)
        pltpu.sync_copy(shi.at[pl.ds(s0 * K, SUBS_PER_BATCH * K)], mrgi)

        n_cells = SUBS_PER_BATCH * K // L

        def _mext(t, _):
            val = mrgv[pl.ds(0, L)]
            idx = mrgi[pl.ds(0, L)]
            pos = lane
            for k in range(1, n_cells):
                v2 = mrgv[pl.ds(k * L, L)]
                i2 = mrgi[pl.ds(k * L, L)]
                p2 = lane + k * L
                take = (v2 > val) | ((v2 == val) & (i2 < idx))
                val = jnp.where(take, v2, val)
                idx = jnp.where(take, i2, idx)
                pos = jnp.where(take, p2, pos)
            m = jnp.max(val)
            big = jnp.int32(2**31 - 1)
            win = jnp.min(jnp.where(val == m, idx, big))
            wpos = jnp.min(jnp.where((val == m) & (idx == win), pos, big))
            plsc.store_scatter(finv, [jnp.full((L,), t, jnp.int32)],
                               jnp.full((L,), m, jnp.float32), mask=lane0)
            plsc.store_scatter(fini, [jnp.full((L,), t, jnp.int32)],
                               jnp.full((L,), win, jnp.int32), mask=lane0)
            plsc.store_scatter(mrgv, [jnp.full((L,), wpos, jnp.int32)],
                               jnp.full((L,), NEG_INF, jnp.float32), mask=lane0)
            return 0

        lax.fori_loop(0, K, _mext, 0)

        for h in range(K // L):
            v = finv[pl.ds(h * L, L)]
            dmask[pl.ds(h * L, L)] = jnp.where(v > MASK_THRESH,
                                               jnp.float32(1.0), jnp.float32(0.0))
        pltpu.sync_copy(dmask, mask_out.at[b])
        pltpu.sync_copy(fini, shfi.at[pl.ds(b_local * K, K)])

    plsc.subcore_barrier()

    @pl.when(lax.rem(s, SUBS_PER_BATCH) < 4)
    def _gather():
        r0 = lax.rem(s, SUBS_PER_BATCH) * 8
        pltpu.sync_copy(shfi.at[pl.ds(b_local * K + r0, 8)], gidx)
        pltpu.async_copy(hidden_hbm.at[gidx], rows, sem).wait()
        pltpu.sync_copy(rows, sel_out.at[pl.ds(b * K + r0, 8)])


def _run_sc_topk_gather(scores_flat, hidden_flat):
    mesh = plsc.VectorSubcoreMesh(core_axis_name="c", subcore_axis_name="s",
                                  num_cores=2, num_subcores=16)
    f32 = jnp.float32
    i32 = jnp.int32
    kern = functools.partial(
        pl.kernel,
        out_type=[
            jax.ShapeDtypeStruct((B * K, D_MODEL), f32),
            jax.ShapeDtypeStruct((B, K), f32),
        ],
        mesh=mesh,
        compiler_params=pltpu.CompilerParams(needs_layout_passes=False),
        scratch_types=[
            pltpu.VMEM((CHUNK,), f32),
            pltpu.VMEM((G * L,), f32),
            pltpu.VMEM((G * L,), i32),
            pltpu.VMEM((K,), f32),
            pltpu.VMEM((K,), i32),
            pltpu.VMEM((SUBS_PER_BATCH * K,), f32),
            pltpu.VMEM((SUBS_PER_BATCH * K,), i32),
            pltpu.VMEM((K,), f32),
            pltpu.VMEM((K,), i32),
            pltpu.VMEM((K,), f32),
            pltpu.VMEM((8,), i32),
            pltpu.VMEM((8, D_MODEL), f32),
            pltpu.VMEM_SHARED((16 * K,), f32),
            pltpu.VMEM_SHARED((16 * K,), i32),
            pltpu.VMEM_SHARED((2 * K,), i32),
            pltpu.SemaphoreType.DMA,
        ],
    )(_sc_body)
    return kern(scores_flat, hidden_flat)



def _proj_body(x_ref, w1_ref, b1_ref, w2_ref, b2_ref, g_ref, bt_ref, out_ref):
    x = x_ref[...]
    h = jnp.dot(x, w1_ref[...], preferred_element_type=jnp.float32) + b1_ref[...]
    h = _gelu_exact(h)
    d = jnp.dot(h, w2_ref[...], preferred_element_type=jnp.float32) + b2_ref[...]
    mu = jnp.mean(d, axis=-1, keepdims=True)
    var = jnp.mean((d - mu) ** 2, axis=-1, keepdims=True)
    out_ref[...] = (d - mu) / jnp.sqrt(var + 1e-5) * g_ref[...] + bt_ref[...]


def _run_proj(selected, Wp1, bp1, Wp2, bp2, gamma, beta):
    return pl.pallas_call(
        _proj_body,
        out_shape=jax.ShapeDtypeStruct((B * K, D_DETAIL), jnp.float32),
    )(selected, Wp1, bp1.reshape(1, D_DETAIL), Wp2, bp2.reshape(1, D_DETAIL),
      gamma.reshape(1, D_DETAIL), beta.reshape(1, D_DETAIL))



def kernel(hidden_states, attention_mask, Ws1, bs1, Ws2, bs2,
           Wp1, bp1, Wp2, bp2, gamma, beta):
    scores = _run_scorer(hidden_states, attention_mask, Ws1, bs1, Ws2, bs2)
    hidden_flat = hidden_states.reshape(B * S, D_MODEL)
    selected, detail_mask = _run_sc_topk_gather(scores, hidden_flat)
    d = _run_proj(selected, Wp1, bp1, Wp2, bp2, gamma, beta)
    return d.reshape(B, K, D_DETAIL), detail_mask

# --- scband reference (transcript-rebuilt; emitter-appended) ---
"""Pipeline reference for scband-detail-encoder-6640019440245 (READ-ONLY COPY).

The authoritative reference and input builder live on the scoring server;
editing this copy changes nothing except your own understanding.
"""

import jax, jax.numpy as jnp
import numpy as np

D_MODEL = 768
D_DETAIL = 384
MAX_DETAIL = 32
B, S = 4, 8192


def setup_inputs(seed: int = 0) -> dict:
    key = jax.random.key(seed)
    ks = jax.random.split(key, 8)
    hidden_states = jax.random.normal(ks[0], (B, S, D_MODEL), dtype=jnp.float32)
    attention_mask = jax.random.randint(ks[1], (B, S), 0, 2).astype(jnp.int32)
    sc = 0.02
    Ws1 = (jax.random.normal(ks[2], (D_MODEL, D_MODEL // 4)) * sc).astype(jnp.float32)
    bs1 = jnp.zeros((D_MODEL // 4,), dtype=jnp.float32)
    Ws2 = (jax.random.normal(ks[3], (D_MODEL // 4, 1)) * sc).astype(jnp.float32)
    bs2 = jnp.zeros((1,), dtype=jnp.float32)
    Wp1 = (jax.random.normal(ks[4], (D_MODEL, D_DETAIL)) * sc).astype(jnp.float32)
    bp1 = jnp.zeros((D_DETAIL,), dtype=jnp.float32)
    Wp2 = (jax.random.normal(ks[5], (D_DETAIL, D_DETAIL)) * sc).astype(jnp.float32)
    bp2 = jnp.zeros((D_DETAIL,), dtype=jnp.float32)
    gamma = jnp.ones((D_DETAIL,), dtype=jnp.float32)
    beta = jnp.zeros((D_DETAIL,), dtype=jnp.float32)
    return {
        'hidden_states': hidden_states, 'attention_mask': attention_mask,
        'Ws1': Ws1, 'bs1': bs1, 'Ws2': Ws2, 'bs2': bs2,
        'Wp1': Wp1, 'bp1': bp1, 'Wp2': Wp2, 'bp2': bp2,
        'gamma': gamma, 'beta': beta,
    }


def reference(hidden_states, attention_mask, Ws1, bs1, Ws2, bs2, Wp1, bp1, Wp2, bp2, gamma, beta):
    # scorer: Linear -> GELU -> Linear -> squeeze
    s = jax.nn.gelu(hidden_states @ Ws1 + bs1, approximate=False)
    scores = jnp.squeeze(s @ Ws2 + bs2, axis=-1)  # [B, S]
    scores = jnp.where(attention_mask == 0, -jnp.inf, scores)
    num_select = min(MAX_DETAIL, S)
    top_scores, top_indices = jax.lax.top_k(scores, num_select)  # [B, k]
    # gather selected hidden states: [B, k, d_model]
    selected = jnp.take_along_axis(hidden_states, top_indices[..., None], axis=1)
    # proj: Linear -> GELU -> (Dropout eval=identity) -> Linear
    d = jax.nn.gelu(selected @ Wp1 + bp1, approximate=False)
    d = d @ Wp2 + bp2
    # LayerNorm
    mu = jnp.mean(d, axis=-1, keepdims=True)
    var = jnp.var(d, axis=-1, keepdims=True)
    d = (d - mu) / jnp.sqrt(var + 1e-5) * gamma + beta
    detail_mask = (top_scores > -jnp.inf).astype(jnp.float32)
    return d, detail_mask

if __name__ == "__main__":
    import jax
    _d = setup_inputs()
    print(jax.jit(kernel)(*tuple(_d.values())))

</pallas_src>

<mosaic_0001>
#map = affine_map<(d0, d1) -> (0)>
#map1 = affine_map<(d0, d1) -> (0, 0)>
module attributes {stable_mosaic.version = 14 : i64} {
  func.func @_sc_body(%arg0: i32, %arg1: i32, %arg2: memref<32768xf32, #tpu.memory_space<hbm>>, %arg3: memref<32768x768xf32, #tpu.memory_space<hbm>>, %arg4: memref<128x768xf32, #tpu.memory_space<hbm>>, %arg5: memref<4x32xf32, #tpu.memory_space<hbm>>, %arg6: memref<1024xf32, #tpu.memory_space<vmem>>, %arg7: memref<128xf32, #tpu.memory_space<vmem>>, %arg8: memref<128xi32, #tpu.memory_space<vmem>>, %arg9: memref<32xf32, #tpu.memory_space<vmem>>, %arg10: memref<32xi32, #tpu.memory_space<vmem>>, %arg11: memref<256xf32, #tpu.memory_space<vmem>>, %arg12: memref<256xi32, #tpu.memory_space<vmem>>, %arg13: memref<32xf32, #tpu.memory_space<vmem>>, %arg14: memref<32xi32, #tpu.memory_space<vmem>>, %arg15: memref<32xf32, #tpu.memory_space<vmem>>, %arg16: memref<8xi32, #tpu.memory_space<vmem>>, %arg17: memref<8x768xf32, #tpu.memory_space<vmem>>, %arg18: memref<512xf32, #tpu.memory_space<vmem_shared>>, %arg19: memref<512xi32, #tpu.memory_space<vmem_shared>>, %arg20: memref<64xi32, #tpu.memory_space<vmem_shared>>, %arg21: memref<!tpu.dma_semaphore, #tpu.memory_space<semaphore_mem>>) attributes {dimension_semantics = [#tpu.dimension_semantics<core_parallel>, #tpu.dimension_semantics<subcore_parallel>], iteration_bounds = array<i64: 2, 16>, scalar_prefetch = 0 : i64, scratch_operands = 16 : i64, tpu.core_type = #tpu.core_type<sc_vector_subcore>, window_params = [{transform_indices = #map}, {transform_indices = #map1}, {transform_indices = #map1}, {transform_indices = #map1}]} {
    %jit3A = arith.constant 8 : i32
    %div3A = arith.divsi %arg1, %jit3A : i32
    %sign3A = arith.constant 0 : i32
    %sign3A_0 = arith.cmpi sgt, %arg1, %sign3A : i32
    %sign3A_1 = arith.extui %sign3A_0 : i1 to i32
    %sign3A_2 = arith.constant 0 : i32
    %sign3A_3 = arith.cmpi slt, %arg1, %sign3A_2 : i32
    %sign3A_4 = arith.extui %sign3A_3 : i1 to i32
    %sign3A_5 = arith.subi %sign3A_1, %sign3A_4 : i32
    %sign3A_6 = arith.constant 0 : i32
    %sign3A_7 = arith.cmpi sgt, %jit3A, %sign3A_6 : i32
    %sign3A_8 = arith.extui %sign3A_7 : i1 to i32
    %sign3A_9 = arith.constant 0 : i32
    %sign3A_10 = arith.cmpi slt, %jit3A, %sign3A_9 : i32
    %sign3A_11 = arith.extui %sign3A_10 : i1 to i32
    %sign3A_12 = arith.subi %sign3A_8, %sign3A_11 : i32
    %ne3A = arith.cmpi ne, %sign3A_5, %sign3A_12 : i32
    %rem3A = arith.remsi %arg1, %jit3A : i32
    %ne3A_13 = arith.constant 0 : i32
    %ne3A_14 = arith.cmpi ne, %rem3A, %ne3A_13 : i32
    %and3A = arith.andi %ne3A, %ne3A_14 : i1
    %sub3A = arith.constant 1 : i32
    %sub3A_15 = arith.subi %div3A, %sub3A : i32
    %select_n3A = arith.select %and3A, %sub3A_15, %div3A : i32
    %rem3A_16 = arith.constant 8 : i32
    %rem3A_17 = arith.remsi %arg1, %rem3A_16 : i32
    %mul3A = arith.constant 2 : i32
    %mul3A_18 = arith.muli %mul3A, %arg0 : i32
    %add3A = arith.addi %mul3A_18, %select_n3A : i32
    %mul3A_19 = arith.constant 8192 : i32
    %mul3A_20 = arith.muli %add3A, %mul3A_19 : i32
    %mul3A_21 = arith.constant 1024 : i32
    %mul3A_22 = arith.muli %rem3A_17, %mul3A_21 : i32
    %add3A_23 = arith.addi %mul3A_20, %mul3A_22 : i32
    %iota3A = tpu.iota {dimensions = array<i32: 0>} : vector<16xi32>
    %eq3A = arith.constant 0 : i32
    %eq3A_24 = vector.broadcast %eq3A : i32 to vector<16xi32>
    %eq3A_25 = arith.cmpi eq, %iota3A, %eq3A_24 : vector<16xi32>
    "tpu.region"() ({
      %run_scoped3A = tpu.sem_alloc : memref<!tpu.dma_semaphore, #tpu.memory_space<semaphore_mem>>
      %dma_start3A = tpu.memref_slice %arg2[%add3A_23] : memref<32768xf32, #tpu.memory_space<hbm>> -> memref<1024xf32, #tpu.memory_space<hbm>>
      %dma_start3A_741 = tpu.memref_slice %arg2[%add3A_23] : memref<32768xf32, #tpu.memory_space<hbm>> -> memref<1024xf32, #tpu.memory_space<hbm>>
      tpu.enqueue_dma source(%dma_start3A_741 : memref<1024xf32, #tpu.memory_space<hbm>>) target(%arg6 : memref<1024xf32, #tpu.memory_space<vmem>>) target_semaphore(%run_scoped3A : memref<!tpu.dma_semaphore, #tpu.memory_space<semaphore_mem>>)
      %dma_wait3A = tpu.memref_slice %arg2[%add3A_23] : memref<32768xf32, #tpu.memory_space<hbm>> -> memref<1024xf32, #tpu.memory_space<hbm>>
      %dma_wait3A_742 = tpu.memref_slice %arg2[%add3A_23] : memref<32768xf32, #tpu.memory_space<hbm>> -> memref<1024xf32, #tpu.memory_space<hbm>>
      tpu.wait_dma2 semaphore(%run_scoped3A : memref<!tpu.dma_semaphore, #tpu.memory_space<semaphore_mem>>) src(%dma_wait3A_742 : memref<1024xf32, #tpu.memory_space<hbm>>) dst(%arg6 : memref<1024xf32, #tpu.memory_space<vmem>>)
      tpu.yield
    }) : () -> ()
    %get3A = arith.constant 0 : index
    %get3A_26 = tpu.vector_load %arg6[%get3A] {strides = array<i32>} : memref<1024xf32, #tpu.memory_space<vmem>>, vector<16xf32>,
    %add3A_27 = arith.constant 0 : i32
    %add3A_28 = arith.addi %add3A_23, %add3A_27 : i32
    %add3A_29 = vector.broadcast %add3A_28 : i32 to vector<16xi32>
    %add3A_30 = arith.addi %iota3A, %add3A_29 : vector<16xi32>
    %get3A_31 = arith.constant 16 : index
    %get3A_32 = tpu.vector_load %arg6[%get3A_31] {strides = array<i32>} : memref<1024xf32, #tpu.memory_space<vmem>>, vector<16xf32>,
    %add3A_33 = arith.constant 0 : i32
    %add3A_34 = arith.addi %add3A_23, %add3A_33 : i32
    %add3A_35 = arith.constant 16 : i32
    %add3A_36 = arith.addi %add3A_34, %add3A_35 : i32
    %add3A_37 = vector.broadcast %add3A_36 : i32 to vector<16xi32>
    %add3A_38 = arith.addi %iota3A, %add3A_37 : vector<16xi32>
    %gt3A = arith.cmpf ogt, %get3A_32, %get3A_26 : vector<16xf32>
    %select_n3A_39 = arith.select %gt3A, %get3A_32, %get3A_26 : vector<16xi1>, vector<16xf32>
    %select_n3A_40 = arith.select %gt3A, %add3A_38, %add3A_30 : vector<16xi1>, vector<16xi32>
    %get3A_41 = arith.constant 32 : index
    %get3A_42 = tpu.vector_load %arg6[%get3A_41] {strides = array<i32>} : memref<1024xf32, #tpu.memory_space<vmem>>, vector<16xf32>,
    %add3A_43 = arith.constant 0 : i32
    %add3A_44 = arith.addi %add3A_23, %add3A_43 : i32
    %add3A_45 = arith.constant 32 : i32
    %add3A_46 = arith.addi %add3A_44, %add3A_45 : i32
    %add3A_47 = vector.broadcast %add3A_46 : i32 to vector<16xi32>
    %add3A_48 = arith.addi %iota3A, %add3A_47 : vector<16xi32>
    %gt3A_49 = arith.cmpf ogt, %get3A_42, %select_n3A_39 : vector<16xf32>
    %select_n3A_50 = arith.select %gt3A_49, %get3A_42, %select_n3A_39 : vector<16xi1>, vector<16xf32>
    %select_n3A_51 = arith.select %gt3A_49, %add3A_48, %select_n3A_40 : vector<16xi1>, vector<16xi32>
    %get3A_52 = arith.constant 48 : index
    %get3A_53 = tpu.vector_load %arg6[%get3A_52] {strides = array<i32>} : memref<1024xf32, #tpu.memory_space<vmem>>, vector<16xf32>,
    %add3A_54 = arith.constant 0 : i32
    %add3A_55 = arith.addi %add3A_23, %add3A_54 : i32
    %add3A_56 = arith.constant 48 : i32
    %add3A_57 = arith.addi %add3A_55, %add3A_56 : i32
    %add3A_58 = vector.broadcast %add3A_57 : i32 to vector<16xi32>
    %add3A_59 = arith.addi %iota3A, %add3A_58 : vector<16xi32>
    %gt3A_60 = arith.cmpf ogt, %get3A_53, %select_n3A_50 : vector<16xf32>
    %select_n3A_61 = arith.select %gt3A_60, %get3A_53, %select_n3A_50 : vector<16xi1>, vector<16xf32>
    %select_n3A_62 = arith.select %gt3A_60, %add3A_59, %select_n3A_51 : vector<16xi1>, vector<16xi32>
    %get3A_63 = arith.constant 64 : index
    %get3A_64 = tpu.vector_load %arg6[%get3A_63] {strides = array<i32>} : memref<1024xf32, #tpu.memory_space<vmem>>, vector<16xf32>,
    %add3A_65 = arith.constant 0 : i32
    %add3A_66 = arith.addi %add3A_23, %add3A_65 : i32
    %add3A_67 = arith.constant 64 : i32
    %add3A_68 = arith.addi %add3A_66, %add3A_67 : i32
    %add3A_69 = vector.broadcast %add3A_68 : i32 to vector<16xi32>
    %add3A_70 = arith.addi %iota3A, %add3A_69 : vector<16xi32>
    %gt3A_71 = arith.cmpf ogt, %get3A_64, %select_n3A_61 : vector<16xf32>
    %select_n3A_72 = arith.select %gt3A_71, %get3A_64, %select_n3A_61 : vector<16xi1>, vector<16xf32>
    %select_n3A_73 = arith.select %gt3A_71, %add3A_70, %select_n3A_62 : vector<16xi1>, vector<16xi32>
    %get3A_74 = arith.constant 80 : index
    %get3A_75 = tpu.vector_load %arg6[%get3A_74] {strides = array<i32>} : memref<1024xf32, #tpu.memory_space<vmem>>, vector<16xf32>,
    %add3A_76 = arith.constant 0 : i32
    %add3A_77 = arith.addi %add3A_23, %add3A_76 : i32
    %add3A_78 = arith.constant 80 : i32
    %add3A_79 = arith.addi %add3A_77, %add3A_78 : i32
    %add3A_80 = vector.broadcast %add3A_79 : i32 to vector<16xi32>
    %add3A_81 = arith.addi %iota3A, %add3A_80 : vector<16xi32>
    %gt3A_82 = arith.cmpf ogt, %get3A_75, %select_n3A_72 : vector<16xf32>
    %select_n3A_83 = arith.select %gt3A_82, %get3A_75, %select_n3A_72 : vector<16xi1>, vector<16xf32>
    %select_n3A_84 = arith.select %gt3A_82, %add3A_81, %select_n3A_73 : vector<16xi1>, vector<16xi32>
    %get3A_85 = arith.constant 96 : index
    %get3A_86 = tpu.vector_load %arg6[%get3A_85] {strides = array<i32>} : memref<1024xf32, #tpu.memory_space<vmem>>, vector<16xf32>,
    %add3A_87 = arith.constant 0 : i32
    %add3A_88 = arith.addi %add3A_23, %add3A_87 : i32
    %add3A_89 = arith.constant 96 : i32
    %add3A_90 = arith.addi %add3A_88, %add3A_89 : i32
    %add3A_91 = vector.broadcast %add3A_90 : i32 to vector<16xi32>
    %add3A_92 = arith.addi %iota3A, %add3A_91 : vector<16xi32>
    %gt3A_93 = arith.cmpf ogt, %get3A_86, %select_n3A_83 : vector<16xf32>
    %select_n3A_94 = arith.select %gt3A_93, %get3A_86, %select_n3A_83 : vector<16xi1>, vector<16xf32>
    %select_n3A_95 = arith.select %gt3A_93, %add3A_92, %select_n3A_84 : vector<16xi1>, vector<16xi32>
    %get3A_96 = arith.constant 112 : index
    %get3A_97 = tpu.vector_load %arg6[%get3A_96] {strides = array<i32>} : memref<1024xf32, #tpu.memory_space<vmem>>, vector<16xf32>,
    %add3A_98 = arith.constant 0 : i32
    %add3A_99 = arith.addi %add3A_23, %add3A_98 : i32
    %add3A_100 = arith.constant 112 : i32
    %add3A_101 = arith.addi %add3A_99, %add3A_100 : i32
    %add3A_102 = vector.broadcast %add3A_101 : i32 to vector<16xi32>
    %add3A_103 = arith.addi %iota3A, %add3A_102 : vector<16xi32>
    %gt3A_104 = arith.cmpf ogt, %get3A_97, %select_n3A_94 : vector<16xf32>
    %select_n3A_105 = arith.select %gt3A_104, %get3A_97, %select_n3A_94 : vector<16xi1>, vector<16xf32>
    %select_n3A_106 = arith.select %gt3A_104, %add3A_103, %select_n3A_95 : vector<16xi1>, vector<16xi32>
    %swap3A = arith.constant 0 : index
    %swap3A_107 = tpu.vector_load %arg7[%swap3A] {strides = array<i32>} : memref<128xf32, #tpu.memory_space<vmem>>, vector<16xf32>,
    tpu.vector_store %arg7[%swap3A], %select_n3A_105 {strides = array<i32>} : memref<128xf32, #tpu.memory_space<vmem>>, vector<16xf32>,
    %swap3A_108 = arith.constant 0 : index
    %swap3A_109 = tpu.vector_load %arg8[%swap3A_108] {strides = array<i32>} : memref<128xi32, #tpu.memory_space<vmem>>, vector<16xi32>,
    tpu.vector_store %arg8[%swap3A_108], %select_n3A_106 {strides = array<i32>} : memref<128xi32, #tpu.memory_space<vmem>>, vector<16xi32>,
    %get3A_110 = arith.constant 128 : index
    %get3A_111 = tpu.vector_load %arg6[%get3A_110] {strides = array<i32>} : memref<1024xf32, #tpu.memory_space<vmem>>, vector<16xf32>,
    %add3A_112 = arith.constant 128 : i32
    %add3A_113 = arith.addi %add3A_23, %add3A_112 : i32
    %add3A_114 = vector.broadcast %add3A_113 : i32 to vector<16xi32>
    %add3A_115 = arith.addi %iota3A, %add3A_114 : vector<16xi32>
    %get3A_116 = arith.constant 144 : index
    %get3A_117 = tpu.vector_load %arg6[%get3A_116] {strides = array<i32>} : memref<1024xf32, #tpu.memory_space<vmem>>, vector<16xf32>,
    %add3A_118 = arith.constant 128 : i32
    %add3A_119 = arith.addi %add3A_23, %add3A_118 : i32
    %add3A_120 = arith.constant 16 : i32
    %add3A_121 = arith.addi %add3A_119, %add3A_120 : i32
    %add3A_122 = vector.broadcast %add3A_121 : i32 to vector<16xi32>
    %add3A_123 = arith.addi %iota3A, %add3A_122 : vector<16xi32>
    %gt3A_124 = arith.cmpf ogt, %get3A_117, %get3A_111 : vector<16xf32>
    %select_n3A_125 = arith.select %gt3A_124, %get3A_117, %get3A_111 : vector<16xi1>, vector<16xf32>
    %select_n3A_126 = arith.select %gt3A_124, %add3A_123, %add3A_115 : vector<16xi1>, vector<16xi32>
    %get3A_127 = arith.constant 160 : index
    %get3A_128 = tpu.vector_load %arg6[%get3A_127] {strides = array<i32>} : memref<1024xf32, #tpu.memory_space<vmem>>, vector<16xf32>,
    %add3A_129 = arith.constant 128 : i32
    %add3A_130 = arith.addi %add3A_23, %add3A_129 : i32
    %add3A_131 = arith.constant 32 : i32
    %add3A_132 = arith.addi %add3A_130, %add3A_131 : i32
    %add3A_133 = vector.broadcast %add3A_132 : i32 to vector<16xi32>
    %add3A_134 = arith.addi %iota3A, %add3A_133 : vector<16xi32>
    %gt3A_135 = arith.cmpf ogt, %get3A_128, %select_n3A_125 : vector<16xf32>
    %select_n3A_136 = arith.select %gt3A_135, %get3A_128, %select_n3A_125 : vector<16xi1>, vector<16xf32>
    %select_n3A_137 = arith.select %gt3A_135, %add3A_134, %select_n3A_126 : vector<16xi1>, vector<16xi32>
    %get3A_138 = arith.constant 176 : index
    %get3A_139 = tpu.vector_load %arg6[%get3A_138] {strides = array<i32>} : memref<1024xf32, #tpu.memory_space<vmem>>, vector<16xf32>,
    %add3A_140 = arith.constant 128 : i32
    %add3A_141 = arith.addi %add3A_23, %add3A_140 : i32
    %add3A_142 = arith.constant 48 : i32
    %add3A_143 = arith.addi %add3A_141, %add3A_142 : i32
    %add3A_144 = vector.broadcast %add3A_143 : i32 to vector<16xi32>
    %add3A_145 = arith.addi %iota3A, %add3A_144 : vector<16xi32>
    %gt3A_146 = arith.cmpf ogt, %get3A_139, %select_n3A_136 : vector<16xf32>
    %select_n3A_147 = arith.select %gt3A_146, %get3A_139, %select_n3A_136 : vector<16xi1>, vector<16xf32>
    %select_n3A_148 = arith.select %gt3A_146, %add3A_145, %select_n3A_137 : vector<16xi1>, vector<16xi32>
    %get3A_149 = arith.constant 192 : index
    %get3A_150 = tpu.vector_load %arg6[%get3A_149] {strides = array<i32>} : memref<1024xf32, #tpu.memory_space<vmem>>, vector<16xf32>,
    %add3A_151 = arith.constant 128 : i32
    %add3A_152 = arith.addi %add3A_23, %add3A_151 : i32
    %add3A_153 = arith.constant 64 : i32
    %add3A_154 = arith.addi %add3A_152, %add3A_153 : i32
    %add3A_155 = vector.broadcast %add3A_154 : i32 to vector<16xi32>
    %add3A_156 = arith.addi %iota3A, %add3A_155 : vector<16xi32>
    %gt3A_157 = arith.cmpf ogt, %get3A_150, %select_n3A_147 : vector<16xf32>
    %select_n3A_158 = arith.select %gt3A_157, %get3A_150, %select_n3A_147 : vector<16xi1>, vector<16xf32>
    %select_n3A_159 = arith.select %gt3A_157, %add3A_156, %select_n3A_148 : vector<16xi1>, vector<16xi32>
    %get3A_160 = arith.constant 208 : index
    %get3A_161 = tpu.vector_load %arg6[%get3A_160] {strides = array<i32>} : memref<1024xf32, #tpu.memory_space<vmem>>, vector<16xf32>,
    %add3A_162 = arith.constant 128 : i32
    %add3A_163 = arith.addi %add3A_23, %add3A_162 : i32
    %add3A_164 = arith.constant 80 : i32
    %add3A_165 = arith.addi %add3A_163, %add3A_164 : i32
    %add3A_166 = vector.broadcast %add3A_165 : i32 to vector<16xi32>
    %add3A_167 = arith.addi %iota3A, %add3A_166 : vector<16xi32>
    %gt3A_168 = arith.cmpf ogt, %get3A_161, %select_n3A_158 : vector<16xf32>
    %select_n3A_169 = arith.select %gt3A_168, %get3A_161, %select_n3A_158 : vector<16xi1>, vector<16xf32>
    %select_n3A_170 = arith.select %gt3A_168, %add3A_167, %select_n3A_159 : vector<16xi1>, vector<16xi32>
    %get3A_171 = arith.constant 224 : index
    %get3A_172 = tpu.vector_load %arg6[%get3A_171] {strides = array<i32>} : memref<1024xf32, #tpu.memory_space<vmem>>, vector<16xf32>,
    %add3A_173 = arith.constant 128 : i32
    %add3A_174 = arith.addi %add3A_23, %add3A_173 : i32
    %add3A_175 = arith.constant 96 : i32
    %add3A_176 = arith.addi %add3A_174, %add3A_175 : i32
    %add3A_177 = vector.broadcast %add3A_176 : i32 to vector<16xi32>
    %add3A_178 = arith.addi %iota3A, %add3A_177 : vector<16xi32>
    %gt3A_179 = arith.cmpf ogt, %get3A_172, %select_n3A_169 : vector<16xf32>
    %select_n3A_180 = arith.select %gt3A_179, %get3A_172, %select_n3A_169 : vector<16xi1>, vector<16xf32>
    %select_n3A_181 = arith.select %gt3A_179, %add3A_178, %select_n3A_170 : vector<16xi1>, vector<16xi32>
    %get3A_182 = arith.constant 240 : index
    %get3A_183 = tpu.vector_load %arg6[%get3A_182] {strides = array<i32>} : memref<1024xf32, #tpu.memory_space<vmem>>, vector<16xf32>,
    %add3A_184 = arith.constant 128 : i32
    %add3A_185 = arith.addi %add3A_23, %add3A_184 : i32
    %add3A_186 = arith.constant 112 : i32
    %add3A_187 = arith.addi %add3A_185, %add3A_186 : i32
    %add3A_188 = vector.broadcast %add3A_187 : i32 to vector<16xi32>
    %add3A_189 = arith.addi %iota3A, %add3A_188 : vector<16xi32>
    %gt3A_190 = arith.cmpf ogt, %get3A_183, %select_n3A_180 : vector<16xf32>
    %select_n3A_191 = arith.select %gt3A_190, %get3A_183, %select_n3A_180 : vector<16xi1>, vector<16xf32>
    %select_n3A_192 = arith.select %gt3A_190, %add3A_189, %select_n3A_181 : vector<16xi1>, vector<16xi32>
    %swap3A_193 = arith.constant 16 : index
    %swap3A_194 = tpu.vector_load %arg7[%swap3A_193] {strides = array<i32>} : memref<128xf32, #tpu.memory_space<vmem>>, vector<16xf32>,
    tpu.vector_store %arg7[%swap3A_193], %select_n3A_191 {strides = array<i32>} : memref<128xf32, #tpu.memory_space<vmem>>, vector<16xf32>,
    %swap3A_195 = arith.constant 16 : index
    %swap3A_196 = tpu.vector_load %arg8[%swap3A_195] {strides = array<i32>} : memref<128xi32, #tpu.memory_space<vmem>>, vector<16xi32>,
    tpu.vector_store %arg8[%swap3A_195], %select_n3A_192 {strides = array<i32>} : memref<128xi32, #tpu.memory_space<vmem>>, vector<16xi32>,
    %get3A_197 = arith.constant 256 : index
    %get3A_198 = tpu.vector_load %arg6[%get3A_197] {strides = array<i32>} : memref<1024xf32, #tpu.memory_space<vmem>>, vector<16xf32>,
    %add3A_199 = arith.constant 256 : i32
    %add3A_200 = arith.addi %add3A_23, %add3A_199 : i32
    %add3A_201 = vector.broadcast %add3A_200 : i32 to vector<16xi32>
    %add3A_202 = arith.addi %iota3A, %add3A_201 : vector<16xi32>
    %get3A_203 = arith.constant 272 : index
    %get3A_204 = tpu.vector_load %arg6[%get3A_203] {strides = array<i32>} : memref<1024xf32, #tpu.memory_space<vmem>>, vector<16xf32>,
    %add3A_205 = arith.constant 256 : i32
    %add3A_206 = arith.addi %add3A_23, %add3A_205 : i32
    %add3A_207 = arith.constant 16 : i32
    %add3A_208 = arith.addi %add3A_206, %add3A_207 : i32
    %add3A_209 = vector.broadcast %add3A_208 : i32 to vector<16xi32>
    %add3A_210 = arith.addi %iota3A, %add3A_209 : vector<16xi32>
    %gt3A_211 = arith.cmpf ogt, %get3A_204, %get3A_198 : vector<16xf32>
    %select_n3A_212 = arith.select %gt3A_211, %get3A_204, %get3A_198 : vector<16xi1>, vector<16xf32>
    %select_n3A_213 = arith.select %gt3A_211, %add3A_210, %add3A_202 : vector<16xi1>, vector<16xi32>
    %get3A_214 = arith.constant 288 : index
    %get3A_215 = tpu.vector_load %arg6[%get3A_214] {strides = array<i32>} : memref<1024xf32, #tpu.memory_space<vmem>>, vector<16xf32>,
    %add3A_216 = arith.constant 256 : i32
    %add3A_217 = arith.addi %add3A_23, %add3A_216 : i32
    %add3A_218 = arith.constant 32 : i32
    %add3A_219 = arith.addi %add3A_217, %add3A_218 : i32
    %add3A_220 = vector.broadcast %add3A_219 : i32 to vector<16xi32>
    %add3A_221 = arith.addi %iota3A, %add3A_220 : vector<16xi32>
    %gt3A_222 = arith.cmpf ogt, %get3A_215, %select_n3A_212 : vector<16xf32>
    %select_n3A_223 = arith.select %gt3A_222, %get3A_215, %select_n3A_212 : vector<16xi1>, vector<16xf32>
    %select_n3A_224 = arith.select %gt3A_222, %add3A_221, %select_n3A_213 : vector<16xi1>, vector<16xi32>
    %get3A_225 = arith.constant 304 : index
    %get3A_226 = tpu.vector_load %arg6[%get3A_225] {strides = array<i32>} : memref<1024xf32, #tpu.memory_space<vmem>>, vector<16xf32>,
    %add3A_227 = arith.constant 256 : i32
    %add3A_228 = arith.addi %add3A_23, %add3A_227 : i32
    %add3A_229 = arith.constant 48 : i32
    %add3A_230 = arith.addi %add3A_228, %add3A_229 : i32
    %add3A_231 = vector.broadcast %add3A_230 : i32 to vector<16xi32>
    %add3A_232 = arith.addi %iota3A, %add3A_231 : vector<16xi32>
    %gt3A_233 = arith.cmpf ogt, %get3A_226, %select_n3A_223 : vector<16xf32>
    %select_n3A_234 = arith.select %gt3A_233, %get3A_226, %select_n3A_223 : vector<16xi1>, vector<16xf32>
    %select_n3A_235 = arith.select %gt3A_233, %add3A_232, %select_n3A_224 : vector<16xi1>, vector<16xi32>
    %get3A_236 = arith.constant 320 : index
    %get3A_237 = tpu.vector_load %arg6[%get3A_236] {strides = array<i32>} : memref<1024xf32, #tpu.memory_space<vmem>>, vector<16xf32>,
    %add3A_238 = arith.constant 256 : i32
    %add3A_239 = arith.addi %add3A_23, %add3A_238 : i32
    %add3A_240 = arith.constant 64 : i32
    %add3A_241 = arith.addi %add3A_239, %add3A_240 : i32
    %add3A_242 = vector.broadcast %add3A_241 : i32 to vector<16xi32>
    %add3A_243 = arith.addi %iota3A, %add3A_242 : vector<16xi32>
    %gt3A_244 = arith.cmpf ogt, %get3A_237, %select_n3A_234 : vector<16xf32>
    %select_n3A_245 = arith.select %gt3A_244, %get3A_237, %select_n3A_234 : vector<16xi1>, vector<16xf32>
    %select_n3A_246 = arith.select %gt3A_244, %add3A_243, %select_n3A_235 : vector<16xi1>, vector<16xi32>
    %get3A_247 = arith.constant 336 : index
    %get3A_248 = tpu.vector_load %arg6[%get3A_247] {strides = array<i32>} : memref<1024xf32, #tpu.memory_space<vmem>>, vector<16xf32>,
    %add3A_249 = arith.constant 256 : i32
    %add3A_250 = arith.addi %add3A_23, %add3A_249 : i32
    %add3A_251 = arith.constant 80 : i32
    %add3A_252 = arith.addi %add3A_250, %add3A_251 : i32
    %add3A_253 = vector.broadcast %add3A_252 : i32 to vector<16xi32>
    %add3A_254 = arith.addi %iota3A, %add3A_253 : vector<16xi32>
    %gt3A_255 = arith.cmpf ogt, %get3A_248, %select_n3A_245 : vector<16xf32>
    %select_n3A_256 = arith.select %gt3A_255, %get3A_248, %select_n3A_245 : vector<16xi1>, vector<16xf32>
    %select_n3A_257 = arith.select %gt3A_255, %add3A_254, %select_n3A_246 : vector<16xi1>, vector<16xi32>
    %get3A_258 = arith.constant 352 : index
    %get3A_259 = tpu.vector_load %arg6[%get3A_258] {strides = array<i32>} : memref<1024xf32, #tpu.memory_space<vmem>>, vector<16xf32>,
    %add3A_260 = arith.constant 256 : i32
    %add3A_261 = arith.addi %add3A_23, %add3A_260 : i32
    %add3A_262 = arith.constant 96 : i32
    %add3A_263 = arith.addi %add3A_261, %add3A_262 : i32
    %add3A_264 = vector.broadcast %add3A_263 : i32 to vector<16xi32>
    %add3A_265 = arith.addi %iota3A, %add3A_264 : vector<16xi32>
    %gt3A_266 = arith.cmpf ogt, %get3A_259, %select_n3A_256 : vector<16xf32>
    %select_n3A_267 = arith.select %gt3A_266, %get3A_259, %select_n3A_256 : vector<16xi1>, vector<16xf32>
    %select_n3A_268 = arith.select %gt3A_266, %add3A_265, %select_n3A_257 : vector<16xi1>, vector<16xi32>
    %get3A_269 = arith.constant 368 : index
    %get3A_270 = tpu.vector_load %arg6[%get3A_269] {strides = array<i32>} : memref<1024xf32, #tpu.memory_space<vmem>>, vector<16xf32>,
    %add3A_271 = arith.constant 256 : i32
    %add3A_272 = arith.addi %add3A_23, %add3A_271 : i32
    %add3A_273 = arith.constant 112 : i32
    %add3A_274 = arith.addi %add3A_272, %add3A_273 : i32
    %add3A_275 = vector.broadcast %add3A_274 : i32 to vector<16xi32>
    %add3A_276 = arith.addi %iota3A, %add3A_275 : vector<16xi32>
    %gt3A_277 = arith.cmpf ogt, %get3A_270, %select_n3A_267 : vector<16xf32>
    %select_n3A_278 = arith.select %gt3A_277, %get3A_270, %select_n3A_267 : vector<16xi1>, vector<16xf32>
    %select_n3A_279 = arith.select %gt3A_277, %add3A_276, %select_n3A_268 : vector<16xi1>, vector<16xi32>
    %swap3A_280 = arith.constant 32 : index
    %swap3A_281 = tpu.vector_load %arg7[%swap3A_280] {strides = array<i32>} : memref<128xf32, #tpu.memory_space<vmem>>, vector<16xf32>,
    tpu.vector_store %arg7[%swap3A_280], %select_n3A_278 {strides = array<i32>} : memref<128xf32, #tpu.memory_space<vmem>>, vector<16xf32>,
    %swap3A_282 = arith.constant 32 : index
    %swap3A_283 = tpu.vector_load %arg8[%swap3A_282] {strides = array<i32>} : memref<128xi32, #tpu.memory_space<vmem>>, vector<16xi32>,
    tpu.vector_store %arg8[%swap3A_282], %select_n3A_279 {strides = array<i32>} : memref<128xi32, #tpu.memory_space<vmem>>, vector<16xi32>,
    %get3A_284 = arith.constant 384 : index
    %get3A_285 = tpu.vector_load %arg6[%get3A_284] {strides = array<i32>} : memref<1024xf32, #tpu.memory_space<vmem>>, vector<16xf32>,
    %add3A_286 = arith.constant 384 : i32
    %add3A_287 = arith.addi %add3A_23, %add3A_286 : i32
    %add3A_288 = vector.broadcast %add3A_287 : i32 to vector<16xi32>
    %add3A_289 = arith.addi %iota3A, %add3A_288 : vector<16xi32>
    %get3A_290 = arith.constant 400 : index
    %get3A_291 = tpu.vector_load %arg6[%get3A_290] {strides = array<i32>} : memref<1024xf32, #tpu.memory_space<vmem>>, vector<16xf32>,
    %add3A_292 = arith.constant 384 : i32
    %add3A_293 = arith.addi %add3A_23, %add3A_292 : i32
    %add3A_294 = arith.constant 16 : i32
    %add3A_295 = arith.addi %add3A_293, %add3A_294 : i32
    %add3A_296 = vector.broadcast %add3A_295 : i32 to vector<16xi32>
    %add3A_297 = arith.addi %iota3A, %add3A_296 : vector<16xi32>
    %gt3A_298 = arith.cmpf ogt, %get3A_291, %get3A_285 : vector<16xf32>
    %select_n3A_299 = arith.select %gt3A_298, %get3A_291, %get3A_285 : vector<16xi1>, vector<16xf32>
    %select_n3A_300 = arith.select %gt3A_298, %add3A_297, %add3A_289 : vector<16xi1>, vector<16xi32>
    %get3A_301 = arith.constant 416 : index
    %get3A_302 = tpu.vector_load %arg6[%get3A_301] {strides = array<i32>} : memref<1024xf32, #tpu.memory_space<vmem>>, vector<16xf32>,
    %add3A_303 = arith.constant 384 : i32
    %add3A_304 = arith.addi %add3A_23, %add3A_303 : i32
    %add3A_305 = arith.constant 32 : i32
    %add3A_306 = arith.addi %add3A_304, %add3A_305 : i32
    %add3A_307 = vector.broadcast %add3A_306 : i32 to vector<16xi32>
    %add3A_308 = arith.addi %iota3A, %add3A_307 : vector<16xi32>
    %gt3A_309 = arith.cmpf ogt, %get3A_302, %select_n3A_299 : vector<16xf32>
    %select_n3A_310 = arith.select %gt3A_309, %get3A_302, %select_n3A_299 : vector<16xi1>, vector<16xf32>
    %select_n3A_311 = arith.select %gt3A_309, %add3A_308, %select_n3A_300 : vector<16xi1>, vector<16xi32>
    %get3A_312 = arith.constant 432 : index
    %get3A_313 = tpu.vector_load %arg6[%get3A_312] {strides = array<i32>} : memref<1024xf32, #tpu.memory_space<vmem>>, vector<16xf32>,
    %add3A_314 = arith.constant 384 : i32
    %add3A_315 = arith.addi %add3A_23, %add3A_314 : i32
    %add3A_316 = arith.constant 48 : i32
    %add3A_317 = arith.addi %add3A_315, %add3A_316 : i32
    %add3A_318 = vector.broadcast %add3A_317 : i32 to vector<16xi32>
    %add3A_319 = arith.addi %iota3A, %add3A_318 : vector<16xi32>
    %gt3A_320 = arith.cmpf ogt, %get3A_313, %select_n3A_310 : vector<16xf32>
    %select_n3A_321 = arith.select %gt3A_320, %get3A_313, %select_n3A_310 : vector<16xi1>, vector<16xf32>
    %select_n3A_322 = arith.select %gt3A_320, %add3A_319, %select_n3A_311 : vector<16xi1>, vector<16xi32>
    %get3A_323 = arith.constant 448 : index
    %get3A_324 = tpu.vector_load %arg6[%get3A_323] {strides = array<i32>} : memref<1024xf32, #tpu.memory_space<vmem>>, vector<16xf32>,
    %add3A_325 = arith.constant 384 : i32
    %add3A_326 = arith.addi %add3A_23, %add3A_325 : i32
    %add3A_327 = arith.constant 64 : i32
    %add3A_328 = arith.addi %add3A_326, %add3A_327 : i32
    %add3A_329 = vector.broadcast %add3A_328 : i32 to vector<16xi32>
    %add3A_330 = arith.addi %iota3A, %add3A_329 : vector<16xi32>
    %gt3A_331 = arith.cmpf ogt, %get3A_324, %select_n3A_321 : vector<16xf32>
    %select_n3A_332 = arith.select %gt3A_331, %get3A_324, %select_n3A_321 : vector<16xi1>, vector<16xf32>
    %select_n3A_333 = arith.select %gt3A_331, %add3A_330, %select_n3A_322 : vector<16xi1>, vector<16xi32>
    %get3A_334 = arith.constant 464 : index
    %get3A_335 = tpu.vector_load %arg6[%get3A_334] {strides = array<i32>} : memref<1024xf32, #tpu.memory_space<vmem>>, vector<16xf32>,
    %add3A_336 = arith.constant 384 : i32
    %add3A_337 = arith.addi %add3A_23, %add3A_336 : i32
    %add3A_338 = arith.constant 80 : i32
    %add3A_339 = arith.addi %add3A_337, %add3A_338 : i32
    %add3A_340 = vector.broadcast %add3A_339 : i32 to vector<16xi32>
    %add3A_341 = arith.addi %iota3A, %add3A_340 : vector<16xi32>
    %gt3A_342 = arith.cmpf ogt, %get3A_335, %select_n3A_332 : vector<16xf32>
    %select_n3A_343 = arith.select %gt3A_342, %get3A_335, %select_n3A_332 : vector<16xi1>, vector<16xf32>
    %select_n3A_344 = arith.select %gt3A_342, %add3A_341, %select_n3A_333 : vector<16xi1>, vector<16xi32>
    %get3A_345 = arith.constant 480 : index
    %get3A_346 = tpu.vector_load %arg6[%get3A_345] {strides = array<i32>} : memref<1024xf32, #tpu.memory_space<vmem>>, vector<16xf32>,
    %add3A_347 = arith.constant 384 : i32
    %add3A_348 = arith.addi %add3A_23, %add3A_347 : i32
    %add3A_349 = arith.constant 96 : i32
    %add3A_350 = arith.addi %add3A_348, %add3A_349 : i32
    %add3A_351 = vector.broadcast %add3A_350 : i32 to vector<16xi32>
    %add3A_352 = arith.addi %iota3A, %add3A_351 : vector<16xi32>
    %gt3A_353 = arith.cmpf ogt, %get3A_346, %select_n3A_343 : vector<16xf32>
    %select_n3A_354 = arith.select %gt3A_353, %get3A_346, %select_n3A_343 : vector<16xi1>, vector<16xf32>
    %select_n3A_355 = arith.select %gt3A_353, %add3A_352, %select_n3A_344 : vector<16xi1>, vector<16xi32>
    %get3A_356 = arith.constant 496 : index
    %get3A_357 = tpu.vector_load %arg6[%get3A_356] {strides = array<i32>} : memref<1024xf32, #tpu.memory_space<vmem>>, vector<16xf32>,
    %add3A_358 = arith.constant 384 : i32
    %add3A_359 = arith.addi %add3A_23, %add3A_358 : i32
    %add3A_360 = arith.constant 112 : i32
    %add3A_361 = arith.addi %add3A_359, %add3A_360 : i32
    %add3A_362 = vector.broadcast %add3A_361 : i32 to vector<16xi32>
    %add3A_363 = arith.addi %iota3A, %add3A_362 : vector<16xi32>
    %gt3A_364 = arith.cmpf ogt, %get3A_357, %select_n3A_354 : vector<16xf32>
    %select_n3A_365 = arith.select %gt3A_364, %get3A_357, %select_n3A_354 : vector<16xi1>, vector<16xf32>
    %select_n3A_366 = arith.select %gt3A_364, %add3A_363, %select_n3A_355 : vector<16xi1>, vector<16xi32>
    %swap3A_367 = arith.constant 48 : index
    %swap3A_368 = tpu.vector_load %arg7[%swap3A_367] {strides = array<i32>} : memref<128xf32, #tpu.memory_space<vmem>>, vector<16xf32>,
    tpu.vector_store %arg7[%swap3A_367], %select_n3A_365 {strides = array<i32>} : memref<128xf32, #tpu.memory_space<vmem>>, vector<16xf32>,
    %swap3A_369 = arith.constant 48 : index
    %swap3A_370 = tpu.vector_load %arg8[%swap3A_369] {strides = array<i32>} : memref<128xi32, #tpu.memory_space<vmem>>, vector<16xi32>,
    tpu.vector_store %arg8[%swap3A_369], %select_n3A_366 {strides = array<i32>} : memref<128xi32, #tpu.memory_space<vmem>>, vector<16xi32>,
    %get3A_371 = arith.constant 512 : index
    %get3A_372 = tpu.vector_load %arg6[%get3A_371] {strides = array<i32>} : memref<1024xf32, #tpu.memory_space<vmem>>, vector<16xf32>,
    %add3A_373 = arith.constant 512 : i32
    %add3A_374 = arith.addi %add3A_23, %add3A_373 : i32
    %add3A_375 = vector.broadcast %add3A_374 : i32 to vector<16xi32>
    %add3A_376 = arith.addi %iota3A, %add3A_375 : vector<16xi32>
    %get3A_377 = arith.constant 528 : index
    %get3A_378 = tpu.vector_load %arg6[%get3A_377] {strides = array<i32>} : memref<1024xf32, #tpu.memory_space<vmem>>, vector<16xf32>,
    %add3A_379 = arith.constant 512 : i32
    %add3A_380 = arith.addi %add3A_23, %add3A_379 : i32
    %add3A_381 = arith.constant 16 : i32
    %add3A_382 = arith.addi %add3A_380, %add3A_381 : i32
    %add3A_383 = vector.broadcast %add3A_382 : i32 to vector<16xi32>
    %add3A_384 = arith.addi %iota3A, %add3A_383 : vector<16xi32>
    %gt3A_385 = arith.cmpf ogt, %get3A_378, %get3A_372 : vector<16xf32>
    %select_n3A_386 = arith.select %gt3A_385, %get3A_378, %get3A_372 : vector<16xi1>, vector<16xf32>
    %select_n3A_387 = arith.select %gt3A_385, %add3A_384, %add3A_376 : vector<16xi1>, vector<16xi32>
    %get3A_388 = arith.constant 544 : index
    %get3A_389 = tpu.vector_load %arg6[%get3A_388] {strides = array<i32>} : memref<1024xf32, #tpu.memory_space<vmem>>, vector<16xf32>,
    %add3A_390 = arith.constant 512 : i32
    %add3A_391 = arith.addi %add3A_23, %add3A_390 : i32
    %add3A_392 = arith.constant 32 : i32
    %add3A_393 = arith.addi %add3A_391, %add3A_392 : i32
    %add3A_394 = vector.broadcast %add3A_393 : i32 to vector<16xi32>
    %add3A_395 = arith.addi %iota3A, %add3A_394 : vector<16xi32>
    %gt3A_396 = arith.cmpf ogt, %get3A_389, %select_n3A_386 : vector<16xf32>
    %select_n3A_397 = arith.select %gt3A_396, %get3A_389, %select_n3A_386 : vector<16xi1>, vector<16xf32>
    %select_n3A_398 = arith.select %gt3A_396, %add3A_395, %select_n3A_387 : vector<16xi1>, vector<16xi32>
    %get3A_399 = arith.constant 560 : index
    %get3A_400 = tpu.vector_load %arg6[%get3A_399] {strides = array<i32>} : memref<1024xf32, #tpu.memory_space<vmem>>, vector<16xf32>,
    %add3A_401 = arith.constant 512 : i32
    %add3A_402 = arith.addi %add3A_23, %add3A_401 : i32
    %add3A_403 = arith.constant 48 : i32
    %add3A_404 = arith.addi %add3A_402, %add3A_403 : i32
    %add3A_405 = vector.broadcast %add3A_404 : i32 to vector<16xi32>
    %add3A_406 = arith.addi %iota3A, %add3A_405 : vector<16xi32>
    %gt3A_407 = arith.cmpf ogt, %get3A_400, %select_n3A_397 : vector<16xf32>
    %select_n3A_408 = arith.select %gt3A_407, %get3A_400, %select_n3A_397 : vector<16xi1>, vector<16xf32>
    %select_n3A_409 = arith.select %gt3A_407, %add3A_406, %select_n3A_398 : vector<16xi1>, vector<16xi32>
    %get3A_410 = arith.constant 576 : index
    %get3A_411 = tpu.vector_load %arg6[%get3A_410] {strides = array<i32>} : memref<1024xf32, #tpu.memory_space<vmem>>, vector<16xf32>,
    %add3A_412 = arith.constant 512 : i32
    %add3A_413 = arith.addi %add3A_23, %add3A_412 : i32
    %add3A_414 = arith.constant 64 : i32
    %add3A_415 = arith.addi %add3A_413, %add3A_414 : i32
    %add3A_416 = vector.broadcast %add3A_415 : i32 to vector<16xi32>
    %add3A_417 = arith.addi %iota3A, %add3A_416 : vector<16xi32>
    %gt3A_418 = arith.cmpf ogt, %get3A_411, %select_n3A_408 : vector<16xf32>
    %select_n3A_419 = arith.select %gt3A_418, %get3A_411, %select_n3A_408 : vector<16xi1>, vector<16xf32>
    %select_n3A_420 = arith.select %gt3A_418, %add3A_417, %select_n3A_409 : vector<16xi1>, vector<16xi32>
    %get3A_421 = arith.constant 592 : index
    %get3A_422 = tpu.vector_load %arg6[%get3A_421] {strides = array<i32>} : memref<1024xf32, #tpu.memory_space<vmem>>, vector<16xf32>,
    %add3A_423 = arith.constant 512 : i32
    %add3A_424 = arith.addi %add3A_23, %add3A_423 : i32
    %add3A_425 = arith.constant 80 : i32
    %add3A_426 = arith.addi %add3A_424, %add3A_425 : i32
    %add3A_427 = vector.broadcast %add3A_426 : i32 to vector<16xi32>
    %add3A_428 = arith.addi %iota3A, %add3A_427 : vector<16xi32>
    %gt3A_429 = arith.cmpf ogt, %get3A_422, %select_n3A_419 : vector<16xf32>
    %select_n3A_430 = arith.select %gt3A_429, %get3A_422, %select_n3A_419 : vector<16xi1>, vector<16xf32>
    %select_n3A_431 = arith.select %gt3A_429, %add3A_428, %select_n3A_420 : vector<16xi1>, vector<16xi32>
    %get3A_432 = arith.constant 608 : index
    %get3A_433 = tpu.vector_load %arg6[%get3A_432] {strides = array<i32>} : memref<1024xf32, #tpu.memory_space<vmem>>, vector<16xf32>,
    %add3A_434 = arith.constant 512 : i32
    %add3A_435 = arith.addi %add3A_23, %add3A_434 : i32
    %add3A_436 = arith.constant 96 : i32
    %add3A_437 = arith.addi %add3A_435, %add3A_436 : i32
    %add3A_438 = vector.broadcast %add3A_437 : i32 to vector<16xi32>
    %add3A_439 = arith.addi %iota3A, %add3A_438 : vector<16xi32>
    %gt3A_440 = arith.cmpf ogt, %get3A_433, %select_n3A_430 : vector<16xf32>
    %select_n3A_441 = arith.select %gt3A_440, %get3A_433, %select_n3A_430 : vector<16xi1>, vector<16xf32>
    %select_n3A_442 = arith.select %gt3A_440, %add3A_439, %select_n3A_431 : vector<16xi1>, vector<16xi32>
    %get3A_443 = arith.constant 624 : index
    %get3A_444 = tpu.vector_load %arg6[%get3A_443] {strides = array<i32>} : memref<1024xf32, #tpu.memory_space<vmem>>, vector<16xf32>,
    %add3A_445 = arith.constant 512 : i32
    %add3A_446 = arith.addi %add3A_23, %add3A_445 : i32
    %add3A_447 = arith.constant 112 : i32
    %add3A_448 = arith.addi %add3A_446, %add3A_447 : i32
    %add3A_449 = vector.broadcast %add3A_448 : i32 to vector<16xi32>
    %add3A_450 = arith.addi %iota3A, %add3A_449 : vector<16xi32>
    %gt3A_451 = arith.cmpf ogt, %get3A_444, %select_n3A_441 : vector<16xf32>
    %select_n3A_452 = arith.select %gt3A_451, %get3A_444, %select_n3A_441 : vector<16xi1>, vector<16xf32>
    %select_n3A_453 = arith.select %gt3A_451, %add3A_450, %select_n3A_442 : vector<16xi1>, vector<16xi32>
    %swap3A_454 = arith.constant 64 : index
    %swap3A_455 = tpu.vector_load %arg7[%swap3A_454] {strides = array<i32>} : memref<128xf32, #tpu.memory_space<vmem>>, vector<16xf32>,
    tpu.vector_store %arg7[%swap3A_454], %select_n3A_452 {strides = array<i32>} : memref<128xf32, #tpu.memory_space<vmem>>, vector<16xf32>,
    %swap3A_456 = arith.constant 64 : index
    %swap3A_457 = tpu.vector_load %arg8[%swap3A_456] {strides = array<i32>} : memref<128xi32, #tpu.memory_space<vmem>>, vector<16xi32>,
    tpu.vector_store %arg8[%swap3A_456], %select_n3A_453 {strides = array<i32>} : memref<128xi32, #tpu.memory_space<vmem>>, vector<16xi32>,
    %get3A_458 = arith.constant 640 : index
    %get3A_459 = tpu.vector_load %arg6[%get3A_458] {strides = array<i32>} : memref<1024xf32, #tpu.memory_space<vmem>>, vector<16xf32>,
    %add3A_460 = arith.constant 640 : i32
    %add3A_461 = arith.addi %add3A_23, %add3A_460 : i32
    %add3A_462 = vector.broadcast %add3A_461 : i32 to vector<16xi32>
    %add3A_463 = arith.addi %iota3A, %add3A_462 : vector<16xi32>
    %get3A_464 = arith.constant 656 : index
    %get3A_465 = tpu.vector_load %arg6[%get3A_464] {strides = array<i32>} : memref<1024xf32, #tpu.memory_space<vmem>>, vector<16xf32>,
    %add3A_466 = arith.constant 640 : i32
    %add3A_467 = arith.addi %add3A_23, %add3A_466 : i32
    %add3A_468 = arith.constant 16 : i32
    %add3A_469 = arith.addi %add3A_467, %add3A_468 : i32
    %add3A_470 = vector.broadcast %add3A_469 : i32 to vector<16xi32>
    %add3A_471 = arith.addi %iota3A, %add3A_470 : vector<16xi32>
    %gt3A_472 = arith.cmpf ogt, %get3A_465, %get3A_459 : vector<16xf32>
    %select_n3A_473 = arith.select %gt3A_472, %get3A_465, %get3A_459 : vector<16xi1>, vector<16xf32>
    %select_n3A_474 = arith.select %gt3A_472, %add3A_471, %add3A_463 : vector<16xi1>, vector<16xi32>
    %get3A_475 = arith.constant 672 : index
    %get3A_476 = tpu.vector_load %arg6[%get3A_475] {strides = array<i32>} : memref<1024xf32, #tpu.memory_space<vmem>>, vector<16xf32>,
    %add3A_477 = arith.constant 640 : i32
    %add3A_478 = arith.addi %add3A_23, %add3A_477 : i32
    %add3A_479 = arith.constant 32 : i32
    %add3A_480 = arith.addi %add3A_478, %add3A_479 : i32
    %add3A_481 = vector.broadcast %add3A_480 : i32 to vector<16xi32>
    %add3A_482 = arith.addi %iota3A, %add3A_481 : vector<16xi32>
    %gt3A_483 = arith.cmpf ogt, %get3A_476, %select_n3A_473 : vector<16xf32>
    %select_n3A_484 = arith.select %gt3A_483, %get3A_476, %select_n3A_473 : vector<16xi1>, vector<16xf32>
    %select_n3A_485 = arith.select %gt3A_483, %add3A_482, %select_n3A_474 : vector<16xi1>, vector<16xi32>
    %get3A_486 = arith.constant 688 : index
    %get3A_487 = tpu.vector_load %arg6[%get3A_486] {strides = array<i32>} : memref<1024xf32, #tpu.memory_space<vmem>>, vector<16xf32>,
    %add3A_488 = arith.constant 640 : i32
    %add3A_489 = arith.addi %add3A_23, %add3A_488 : i32
    %add3A_490 = arith.constant 48 : i32
    %add3A_491 = arith.addi %add3A_489, %add3A_490 : i32
    %add3A_492 = vector.broadcast %add3A_491 : i32 to vector<16xi32>
    %add3A_493 = arith.addi %iota3A, %add3A_492 : vector<16xi32>
    %gt3A_494 = arith.cmpf ogt, %get3A_487, %select_n3A_484 : vector<16xf32>
    %select_n3A_495 = arith.select %gt3A_494, %get3A_487, %select_n3A_484 : vector<16xi1>, vector<16xf32>
    %select_n3A_496 = arith.select %gt3A_494, %add3A_493, %select_n3A_485 : vector<16xi1>, vector<16xi32>
    %get3A_497 = arith.constant 704 : index
    %get3A_498 = tpu.vector_load %arg6[%get3A_497] {strides = array<i32>} : memref<1024xf32, #tpu.memory_space<vmem>>, vector<16xf32>,
    %add3A_499 = arith.constant 640 : i32
    %add3A_500 = arith.addi %add3A_23, %add3A_499 : i32
    %add3A_501 = arith.constant 64 : i32
    %add3A_502 = arith.addi %add3A_500, %add3A_501 : i32
    %add3A_503 = vector.broadcast %add3A_502 : i32 to vector<16xi32>
    %add3A_504 = arith.addi %iota3A, %add3A_503 : vector<16xi32>
    %gt3A_505 = arith.cmpf ogt, %get3A_498, %select_n3A_495 : vector<16xf32>
    %select_n3A_506 = arith.select %gt3A_505, %get3A_498, %select_n3A_495 : vector<16xi1>, vector<16xf32>
    %select_n3A_507 = arith.select %gt3A_505, %add3A_504, %select_n3A_496 : vector<16xi1>, vector<16xi32>
    %get3A_508 = arith.constant 720 : index
    %get3A_509 = tpu.vector_load %arg6[%get3A_508] {strides = array<i32>} : memref<1024xf32, #tpu.memory_space<vmem>>, vector<16xf32>,
    %add3A_510 = arith.constant 640 : i32
    %add3A_511 = arith.addi %add3A_23, %add3A_510 : i32
    %add3A_512 = arith.constant 80 : i32
    %add3A_513 = arith.addi %add3A_511, %add3A_512 : i32
    %add3A_514 = vector.broadcast %add3A_513 : i32 to vector<16xi32>
    %add3A_515 = arith.addi %iota3A, %add3A_514 : vector<16xi32>
    %gt3A_516 = arith.cmpf ogt, %get3A_509, %select_n3A_506 : vector<16xf32>
    %select_n3A_517 = arith.select %gt3A_516, %get3A_509, %select_n3A_506 : vector<16xi1>, vector<16xf32>
    %select_n3A_518 = arith.select %gt3A_516, %add3A_515, %select_n3A_507 : vector<16xi1>, vector<16xi32>
    %get3A_519 = arith.constant 736 : index
    %get3A_520 = tpu.vector_load %arg6[%get3A_519] {strides = array<i32>} : memref<1024xf32, #tpu.memory_space<vmem>>, vector<16xf32>,
    %add3A_521 = arith.constant 640 : i32
    %add3A_522 = arith.addi %add3A_23, %add3A_521 : i32
    %add3A_523 = arith.constant 96 : i32
    %add3A_524 = arith.addi %add3A_522, %add3A_523 : i32
    %add3A_525 = vector.broadcast %add3A_524 : i32 to vector<16xi32>
    %add3A_526 = arith.addi %iota3A, %add3A_525 : vector<16xi32>
    %gt3A_527 = arith.cmpf ogt, %get3A_520, %select_n3A_517 : vector<16xf32>
    %select_n3A_528 = arith.select %gt3A_527, %get3A_520, %select_n3A_517 : vector<16xi1>, vector<16xf32>
    %select_n3A_529 = arith.select %gt3A_527, %add3A_526, %select_n3A_518 : vector<16xi1>, vector<16xi32>
    %get3A_530 = arith.constant 752 : index
    %get3A_531 = tpu.vector_load %arg6[%get3A_530] {strides = array<i32>} : memref<1024xf32, #tpu.memory_space<vmem>>, vector<16xf32>,
    %add3A_532 = arith.constant 640 : i32
    %add3A_533 = arith.addi %add3A_23, %add3A_532 : i32
    %add3A_534 = arith.constant 112 : i32
    %add3A_535 = arith.addi %add3A_533, %add3A_534 : i32
    %add3A_536 = vector.broadcast %add3A_535 : i32 to vector<16xi32>
    %add3A_537 = arith.addi %iota3A, %add3A_536 : vector<16xi32>
    %gt3A_538 = arith.cmpf ogt, %get3A_531, %select_n3A_528 : vector<16xf32>
    %select_n3A_539 = arith.select %gt3A_538, %get3A_531, %select_n3A_528 : vector<16xi1>, vector<16xf32>
    %select_n3A_540 = arith.select %gt3A_538, %add3A_537, %select_n3A_529 : vector<16xi1>, vector<16xi32>
    %swap3A_541 = arith.constant 80 : index
    %swap3A_542 = tpu.vector_load %arg7[%swap3A_541] {strides = array<i32>} : memref<128xf32, #tpu.memory_space<vmem>>, vector<16xf32>,
    tpu.vector_store %arg7[%swap3A_541], %select_n3A_539 {strides = array<i32>} : memref<128xf32, #tpu.memory_space<vmem>>, vector<16xf32>,
    %swap3A_543 = arith.constant 80 : index
    %swap3A_544 = tpu.vector_load %arg8[%swap3A_543] {strides = array<i32>} : memref<128xi32, #tpu.memory_space<vmem>>, vector<16xi32>,
    tpu.vector_store %arg8[%swap3A_543], %select_n3A_540 {strides = array<i32>} : memref<128xi32, #tpu.memory_space<vmem>>, vector<16xi32>,
    %get3A_545 = arith.constant 768 : index
    %get3A_546 = tpu.vector_load %arg6[%get3A_545] {strides = array<i32>} : memref<1024xf32, #tpu.memory_space<vmem>>, vector<16xf32>,
    %add3A_547 = arith.constant 768 : i32
    %add3A_548 = arith.addi %add3A_23, %add3A_547 : i32
    %add3A_549 = vector.broadcast %add3A_548 : i32 to vector<16xi32>
    %add3A_550 = arith.addi %iota3A, %add3A_549 : vector<16xi32>
    %get3A_551 = arith.constant 784 : index
    %get3A_552 = tpu.vector_load %arg6[%get3A_551] {strides = array<i32>} : memref<1024xf32, #tpu.memory_space<vmem>>, vector<16xf32>,
    %add3A_553 = arith.constant 768 : i32
    %add3A_554 = arith.addi %add3A_23, %add3A_553 : i32
    %add3A_555 = arith.constant 16 : i32
    %add3A_556 = arith.addi %add3A_554, %add3A_555 : i32
    %add3A_557 = vector.broadcast %add3A_556 : i32 to vector<16xi32>
    %add3A_558 = arith.addi %iota3A, %add3A_557 : vector<16xi32>
    %gt3A_559 = arith.cmpf ogt, %get3A_552, %get3A_546 : vector<16xf32>
    %select_n3A_560 = arith.select %gt3A_559, %get3A_552, %get3A_546 : vector<16xi1>, vector<16xf32>
    %select_n3A_561 = arith.select %gt3A_559, %add3A_558, %add3A_550 : vector<16xi1>, vector<16xi32>
    %get3A_562 = arith.constant 800 : index
    %get3A_563 = tpu.vector_load %arg6[%get3A_562] {strides = array<i32>} : memref<1024xf32, #tpu.memory_space<vmem>>, vector<16xf32>,
    %add3A_564 = arith.constant 768 : i32
    %add3A_565 = arith.addi %add3A_23, %add3A_564 : i32
    %add3A_566 = arith.constant 32 : i32
    %add3A_567 = arith.addi %add3A_565, %add3A_566 : i32
    %add3A_568 = vector.broadcast %add3A_567 : i32 to vector<16xi32>
    %add3A_569 = arith.addi %iota3A, %add3A_568 : vector<16xi32>
    %gt3A_570 = arith.cmpf ogt, %get3A_563, %select_n3A_560 : vector<16xf32>
    %select_n3A_571 = arith.select %gt3A_570, %get3A_563, %select_n3A_560 : vector<16xi1>, vector<16xf32>
    %select_n3A_572 = arith.select %gt3A_570, %add3A_569, %select_n3A_561 : vector<16xi1>, vector<16xi32>
    %get3A_573 = arith.constant 816 : index
    %get3A_574 = tpu.vector_load %arg6[%get3A_573] {strides = array<i32>} : memref<1024xf32, #tpu.memory_space<vmem>>, vector<16xf32>,
    %add3A_575 = arith.constant 768 : i32
    %add3A_576 = arith.addi %add3A_23, %add3A_575 : i32
    %add3A_577 = arith.constant 48 : i32
    %add3A_578 = arith.addi %add3A_576, %add3A_577 : i32
    %add3A_579 = vector.broadcast %add3A_578 : i32 to vector<16xi32>
    %add3A_580 = arith.addi %iota3A, %add3A_579 : vector<16xi32>
    %gt3A_581 = arith.cmpf ogt, %get3A_574, %select_n3A_571 : vector<16xf32>
    %select_n3A_582 = arith.select %gt3A_581, %get3A_574, %select_n3A_571 : vector<16xi1>, vector<16xf32>
    %select_n3A_583 = arith.select %gt3A_581, %add3A_580, %select_n3A_572 : vector<16xi1>, vector<16xi32>
    %get3A_584 = arith.constant 832 : index
    %get3A_585 = tpu.vector_load %arg6[%get3A_584] {strides = array<i32>} : memref<1024xf32, #tpu.memory_space<vmem>>, vector<16xf32>,
    %add3A_586 = arith.constant 768 : i32
    %add3A_587 = arith.addi %add3A_23, %add3A_586 : i32
    %add3A_588 = arith.constant 64 : i32
    %add3A_589 = arith.addi %add3A_587, %add3A_588 : i32
    %add3A_590 = vector.broadcast %add3A_589 : i32 to vector<16xi32>
    %add3A_591 = arith.addi %iota3A, %add3A_590 : vector<16xi32>
    %gt3A_592 = arith.cmpf ogt, %get3A_585, %select_n3A_582 : vector<16xf32>
    %select_n3A_593 = arith.select %gt3A_592, %get3A_585, %select_n3A_582 : vector<16xi1>, vector<16xf32>
    %select_n3A_594 = arith.select %gt3A_592, %add3A_591, %select_n3A_583 : vector<16xi1>, vector<16xi32>
    %get3A_595 = arith.constant 848 : index
    %get3A_596 = tpu.vector_load %arg6[%get3A_595] {strides = array<i32>} : memref<1024xf32, #tpu.memory_space<vmem>>, vector<16xf32>,
    %add3A_597 = arith.constant 768 : i32
    %add3A_598 = arith.addi %add3A_23, %add3A_597 : i32
    %add3A_599 = arith.constant 80 : i32
    %add3A_600 = arith.addi %add3A_598, %add3A_599 : i32
    %add3A_601 = vector.broadcast %add3A_600 : i32 to vector<16xi32>
    %add3A_602 = arith.addi %iota3A, %add3A_601 : vector<16xi32>
    %gt3A_603 = arith.cmpf ogt, %get3A_596, %select_n3A_593 : vector<16xf32>
    %select_n3A_604 = arith.select %gt3A_603, %get3A_596, %select_n3A_593 : vector<16xi1>, vector<16xf32>
    %select_n3A_605 = arith.select %gt3A_603, %add3A_602, %select_n3A_594 : vector<16xi1>, vector<16xi32>
    %get3A_606 = arith.constant 864 : index
    %get3A_607 = tpu.vector_load %arg6[%get3A_606] {strides = array<i32>} : memref<1024xf32, #tpu.memory_space<vmem>>, vector<16xf32>,
    %add3A_608 = arith.constant 768 : i32
    %add3A_609 = arith.addi %add3A_23, %add3A_608 : i32
    %add3A_610 = arith.constant 96 : i32
    %add3A_611 = arith.addi %add3A_609, %add3A_610 : i32
    %add3A_612 = vector.broadcast %add3A_611 : i32 to vector<16xi32>
    %add3A_613 = arith.addi %iota3A, %add3A_612 : vector<16xi32>
    %gt3A_614 = arith.cmpf ogt, %get3A_607, %select_n3A_604 : vector<16xf32>
    %select_n3A_615 = arith.select %gt3A_614, %get3A_607, %select_n3A_604 : vector<16xi1>, vector<16xf32>
    %select_n3A_616 = arith.select %gt3A_614, %add3A_613, %select_n3A_605 : vector<16xi1>, vector<16xi32>
    %get3A_617 = arith.constant 880 : index
    %get3A_618 = tpu.vector_load %arg6[%get3A_617] {strides = array<i32>} : memref<1024xf32, #tpu.memory_space<vmem>>, vector<16xf32>,
    %add3A_619 = arith.constant 768 : i32
    %add3A_620 = arith.addi %add3A_23, %add3A_619 : i32
    %add3A_621 = arith.constant 112 : i32
    %add3A_622 = arith.addi %add3A_620, %add3A_621 : i32
    %add3A_623 = vector.broadcast %add3A_622 : i32 to vector<16xi32>
    %add3A_624 = arith.addi %iota3A, %add3A_623 : vector<16xi32>
    %gt3A_625 = arith.cmpf ogt, %get3A_618, %select_n3A_615 : vector<16xf32>
    %select_n3A_626 = arith.select %gt3A_625, %get3A_618, %select_n3A_615 : vector<16xi1>, vector<16xf32>
    %select_n3A_627 = arith.select %gt3A_625, %add3A_624, %select_n3A_616 : vector<16xi1>, vector<16xi32>
    %swap3A_628 = arith.constant 96 : index
    %swap3A_629 = tpu.vector_load %arg7[%swap3A_628] {strides = array<i32>} : memref<128xf32, #tpu.memory_space<vmem>>, vector<16xf32>,
    tpu.vector_store %arg7[%swap3A_628], %select_n3A_626 {strides = array<i32>} : memref<128xf32, #tpu.memory_space<vmem>>, vector<16xf32>,
    %swap3A_630 = arith.constant 96 : index
    %swap3A_631 = tpu.vector_load %arg8[%swap3A_630] {strides = array<i32>} : memref<128xi32, #tpu.memory_space<vmem>>, vector<16xi32>,
    tpu.vector_store %arg8[%swap3A_630], %select_n3A_627 {strides = array<i32>} : memref<128xi32, #tpu.memory_space<vmem>>, vector<16xi32>,
    %get3A_632 = arith.constant 896 : index
    %get3A_633 = tpu.vector_load %arg6[%get3A_632] {strides = array<i32>} : memref<1024xf32, #tpu.memory_space<vmem>>, vector<16xf32>,
    %add3A_634 = arith.constant 896 : i32
    %add3A_635 = arith.addi %add3A_23, %add3A_634 : i32
    %add3A_636 = vector.broadcast %add3A_635 : i32 to vector<16xi32>
    %add3A_637 = arith.addi %iota3A, %add3A_636 : vector<16xi32>
    %get3A_638 = arith.constant 912 : index
    %get3A_639 = tpu.vector_load %arg6[%get3A_638] {strides = array<i32>} : memref<1024xf32, #tpu.memory_space<vmem>>, vector<16xf32>,
    %add3A_640 = arith.constant 896 : i32
    %add3A_641 = arith.addi %add3A_23, %add3A_640 : i32
    %add3A_642 = arith.constant 16 : i32
    %add3A_643 = arith.addi %add3A_641, %add3A_642 : i32
    %add3A_644 = vector.broadcast %add3A_643 : i32 to vector<16xi32>
    %add3A_645 = arith.addi %iota3A, %add3A_644 : vector<16xi32>
    %gt3A_646 = arith.cmpf ogt, %get3A_639, %get3A_633 : vector<16xf32>
    %select_n3A_647 = arith.select %gt3A_646, %get3A_639, %get3A_633 : vector<16xi1>, vector<16xf32>
    %select_n3A_648 = arith.select %gt3A_646, %add3A_645, %add3A_637 : vector<16xi1>, vector<16xi32>
    %get3A_649 = arith.constant 928 : index
    %get3A_650 = tpu.vector_load %arg6[%get3A_649] {strides = array<i32>} : memref<1024xf32, #tpu.memory_space<vmem>>, vector<16xf32>,
    %add3A_651 = arith.constant 896 : i32
    %add3A_652 = arith.addi %add3A_23, %add3A_651 : i32
    %add3A_653 = arith.constant 32 : i32
    %add3A_654 = arith.addi %add3A_652, %add3A_653 : i32
    %add3A_655 = vector.broadcast %add3A_654 : i32 to vector<16xi32>
    %add3A_656 = arith.addi %iota3A, %add3A_655 : vector<16xi32>
    %gt3A_657 = arith.cmpf ogt, %get3A_650, %select_n3A_647 : vector<16xf32>
    %select_n3A_658 = arith.select %gt3A_657, %get3A_650, %select_n3A_647 : vector<16xi1>, vector<16xf32>
    %select_n3A_659 = arith.select %gt3A_657, %add3A_656, %select_n3A_648 : vector<16xi1>, vector<16xi32>
    %get3A_660 = arith.constant 944 : index
    %get3A_661 = tpu.vector_load %arg6[%get3A_660] {strides = array<i32>} : memref<1024xf32, #tpu.memory_space<vmem>>, vector<16xf32>,
    %add3A_662 = arith.constant 896 : i32
    %add3A_663 = arith.addi %add3A_23, %add3A_662 : i32
    %add3A_664 = arith.constant 48 : i32
    %add3A_665 = arith.addi %add3A_663, %add3A_664 : i32
    %add3A_666 = vector.broadcast %add3A_665 : i32 to vector<16xi32>
    %add3A_667 = arith.addi %iota3A, %add3A_666 : vector<16xi32>
    %gt3A_668 = arith.cmpf ogt, %get3A_661, %select_n3A_658 : vector<16xf32>
    %select_n3A_669 = arith.select %gt3A_668, %get3A_661, %select_n3A_658 : vector<16xi1>, vector<16xf32>
    %select_n3A_670 = arith.select %gt3A_668, %add3A_667, %select_n3A_659 : vector<16xi1>, vector<16xi32>
    %get3A_671 = arith.constant 960 : index
    %get3A_672 = tpu.vector_load %arg6[%get3A_671] {strides = array<i32>} : memref<1024xf32, #tpu.memory_space<vmem>>, vector<16xf32>,
    %add3A_673 = arith.constant 896 : i32
    %add3A_674 = arith.addi %add3A_23, %add3A_673 : i32
    %add3A_675 = arith.constant 64 : i32
    %add3A_676 = arith.addi %add3A_674, %add3A_675 : i32
    %add3A_677 = vector.broadcast %add3A_676 : i32 to vector<16xi32>
    %add3A_678 = arith.addi %iota3A, %add3A_677 : vector<16xi32>
    %gt3A_679 = arith.cmpf ogt, %get3A_672, %select_n3A_669 : vector<16xf32>
    %select_n3A_680 = arith.select %gt3A_679, %get3A_672, %select_n3A_669 : vector<16xi1>, vector<16xf32>
    %select_n3A_681 = arith.select %gt3A_679, %add3A_678, %select_n3A_670 : vector<16xi1>, vector<16xi32>
    %get3A_682 = arith.constant 976 : index
    %get3A_683 = tpu.vector_load %arg6[%get3A_682] {strides = array<i32>} : memref<1024xf32, #tpu.memory_space<vmem>>, vector<16xf32>,
    %add3A_684 = arith.constant 896 : i32
    %add3A_685 = arith.addi %add3A_23, %add3A_684 : i32
    %add3A_686 = arith.constant 80 : i32
    %add3A_687 = arith.addi %add3A_685, %add3A_686 : i32
    %add3A_688 = vector.broadcast %add3A_687 : i32 to vector<16xi32>
    %add3A_689 = arith.addi %iota3A, %add3A_688 : vector<16xi32>
    %gt3A_690 = arith.cmpf ogt, %get3A_683, %select_n3A_680 : vector<16xf32>
    %select_n3A_691 = arith.select %gt3A_690, %get3A_683, %select_n3A_680 : vector<16xi1>, vector<16xf32>
    %select_n3A_692 = arith.select %gt3A_690, %add3A_689, %select_n3A_681 : vector<16xi1>, vector<16xi32>
    %get3A_693 = arith.constant 992 : index
    %get3A_694 = tpu.vector_load %arg6[%get3A_693] {strides = array<i32>} : memref<1024xf32, #tpu.memory_space<vmem>>, vector<16xf32>,
    %add3A_695 = arith.constant 896 : i32
    %add3A_696 = arith.addi %add3A_23, %add3A_695 : i32
    %add3A_697 = arith.constant 96 : i32
    %add3A_698 = arith.addi %add3A_696, %add3A_697 : i32
    %add3A_699 = vector.broadcast %add3A_698 : i32 to vector<16xi32>
    %add3A_700 = arith.addi %iota3A, %add3A_699 : vector<16xi32>
    %gt3A_701 = arith.cmpf ogt, %get3A_694, %select_n3A_691 : vector<16xf32>
    %select_n3A_702 = arith.select %gt3A_701, %get3A_694, %select_n3A_691 : vector<16xi1>, vector<16xf32>
    %select_n3A_703 = arith.select %gt3A_701, %add3A_700, %select_n3A_692 : vector<16xi1>, vector<16xi32>
    %get3A_704 = arith.constant 1008 : index
    %get3A_705 = tpu.vector_load %arg6[%get3A_704] {strides = array<i32>} : memref<1024xf32, #tpu.memory_space<vmem>>, vector<16xf32>,
    %add3A_706 = arith.constant 896 : i32
    %add3A_707 = arith.addi %add3A_23, %add3A_706 : i32
    %add3A_708 = arith.constant 112 : i32
    %add3A_709 = arith.addi %add3A_707, %add3A_708 : i32
    %add3A_710 = vector.broadcast %add3A_709 : i32 to vector<16xi32>
    %add3A_711 = arith.addi %iota3A, %add3A_710 : vector<16xi32>
    %gt3A_712 = arith.cmpf ogt, %get3A_705, %select_n3A_702 : vector<16xf32>
    %select_n3A_713 = arith.select %gt3A_712, %get3A_705, %select_n3A_702 : vector<16xi1>, vector<16xf32>
    %select_n3A_714 = arith.select %gt3A_712, %add3A_711, %select_n3A_703 : vector<16xi1>, vector<16xi32>
    %swap3A_715 = arith.constant 112 : index
    %swap3A_716 = tpu.vector_load %arg7[%swap3A_715] {strides = array<i32>} : memref<128xf32, #tpu.memory_space<vmem>>, vector<16xf32>,
    tpu.vector_store %arg7[%swap3A_715], %select_n3A_713 {strides = array<i32>} : memref<128xf32, #tpu.memory_space<vmem>>, vector<16xf32>,
    %swap3A_717 = arith.constant 112 : index
    %swap3A_718 = tpu.vector_load %arg8[%swap3A_717] {strides = array<i32>} : memref<128xi32, #tpu.memory_space<vmem>>, vector<16xi32>,
    tpu.vector_store %arg8[%swap3A_717], %select_n3A_714 {strides = array<i32>} : memref<128xi32, #tpu.memory_space<vmem>>, vector<16xi32>,
    %scan3A = arith.constant 0 : i32
    %scan3A_719 = arith.constant 0 : i32
    %scan3A_720 = arith.constant 32 : i32
    %scan3A_721 = arith.addi %scan3A_719, %scan3A_720 : i32
    %scan3A_722 = arith.constant 1 : i32
    %scan3A_723 = scf.for %scan3A_741 = %scan3A_719 to %scan3A_721 step %scan3A_722 iter_args(%scan3A_742 = %scan3A) -> (i32)  : i32 {
      %get3A_743 = arith.constant 0 : index
      %get3A_744 = tpu.vector_load %arg7[%get3A_743] {strides = array<i32>} : memref<128xf32, #tpu.memory_space<vmem>>, vector<16xf32>,
      %get3A_745 = arith.constant 0 : index
      %get3A_746 = tpu.vector_load %arg8[%get3A_745] {strides = array<i32>} : memref<128xi32, #tpu.memory_space<vmem>>, vector<16xi32>,
      %get3A_747 = arith.constant 16 : index
      %get3A_748 = tpu.vector_load %arg7[%get3A_747] {strides = array<i32>} : memref<128xf32, #tpu.memory_space<vmem>>, vector<16xf32>,
      %get3A_749 = arith.constant 16 : index
      %get3A_750 = tpu.vector_load %arg8[%get3A_749] {strides = array<i32>} : memref<128xi32, #tpu.memory_space<vmem>>, vector<16xi32>,
      %gt3A_751 = arith.cmpf ogt, %get3A_748, %get3A_744 : vector<16xf32>
      %select_n3A_752 = arith.select %gt3A_751, %get3A_748, %get3A_744 : vector<16xi1>, vector<16xf32>
      %select_n3A_753 = arith.select %gt3A_751, %get3A_750, %get3A_746 : vector<16xi1>, vector<16xi32>
      %get3A_754 = arith.constant 32 : index
      %get3A_755 = tpu.vector_load %arg7[%get3A_754] {strides = array<i32>} : memref<128xf32, #tpu.memory_space<vmem>>, vector<16xf32>,
      %get3A_756 = arith.constant 32 : index
      %get3A_757 = tpu.vector_load %arg8[%get3A_756] {strides = array<i32>} : memref<128xi32, #tpu.memory_space<vmem>>, vector<16xi32>,
      %gt3A_758 = arith.cmpf ogt, %get3A_755, %select_n3A_752 : vector<16xf32>
      %select_n3A_759 = arith.select %gt3A_758, %get3A_755, %select_n3A_752 : vector<16xi1>, vector<16xf32>
      %select_n3A_760 = arith.select %gt3A_758, %get3A_757, %select_n3A_753 : vector<16xi1>, vector<16xi32>
      %get3A_761 = arith.constant 48 : index
      %get3A_762 = tpu.vector_load %arg7[%get3A_761] {strides = array<i32>} : memref<128xf32, #tpu.memory_space<vmem>>, vector<16xf32>,
      %get3A_763 = arith.constant 48 : index
      %get3A_764 = tpu.vector_load %arg8[%get3A_763] {strides = array<i32>} : memref<128xi32, #tpu.memory_space<vmem>>, vector<16xi32>,
      %gt3A_765 = arith.cmpf ogt, %get3A_762, %select_n3A_759 : vector<16xf32>
      %select_n3A_766 = arith.select %gt3A_765, %get3A_762, %select_n3A_759 : vector<16xi1>, vector<16xf32>
      %select_n3A_767 = arith.select %gt3A_765, %get3A_764, %select_n3A_760 : vector<16xi1>, vector<16xi32>
      %get3A_768 = arith.constant 64 : index
      %get3A_769 = tpu.vector_load %arg7[%get3A_768] {strides = array<i32>} : memref<128xf32, #tpu.memory_space<vmem>>, vector<16xf32>,
      %get3A_770 = arith.constant 64 : index
      %get3A_771 = tpu.vector_load %arg8[%get3A_770] {strides = array<i32>} : memref<128xi32, #tpu.memory_space<vmem>>, vector<16xi32>,
      %gt3A_772 = arith.cmpf ogt, %get3A_769, %select_n3A_766 : vector<16xf32>
      %select_n3A_773 = arith.select %gt3A_772, %get3A_769, %select_n3A_766 : vector<16xi1>, vector<16xf32>
      %select_n3A_774 = arith.select %gt3A_772, %get3A_771, %select_n3A_767 : vector<16xi1>, vector<16xi32>
      %get3A_775 = arith.constant 80 : index
      %get3A_776 = tpu.vector_load %arg7[%get3A_775] {strides = array<i32>} : memref<128xf32, #tpu.memory_space<vmem>>, vector<16xf32>,
      %get3A_777 = arith.constant 80 : index
      %get3A_778 = tpu.vector_load %arg8[%get3A_777] {strides = array<i32>} : memref<128xi32, #tpu.memory_space<vmem>>, vector<16xi32>,
      %gt3A_779 = arith.cmpf ogt, %get3A_776, %select_n3A_773 : vector<16xf32>
      %select_n3A_780 = arith.select %gt3A_779, %get3A_776, %select_n3A_773 : vector<16xi1>, vector<16xf32>
      %select_n3A_781 = arith.select %gt3A_779, %get3A_778, %select_n3A_774 : vector<16xi1>, vector<16xi32>
      %get3A_782 = arith.constant 96 : index
      %get3A_783 = tpu.vector_load %arg7[%get3A_782] {strides = array<i32>} : memref<128xf32, #tpu.memory_space<vmem>>, vector<16xf32>,
      %get3A_784 = arith.constant 96 : index
      %get3A_785 = tpu.vector_load %arg8[%get3A_784] {strides = array<i32>} : memref<128xi32, #tpu.memory_space<vmem>>, vector<16xi32>,
      %gt3A_786 = arith.cmpf ogt, %get3A_783, %select_n3A_780 : vector<16xf32>
      %select_n3A_787 = arith.select %gt3A_786, %get3A_783, %select_n3A_780 : vector<16xi1>, vector<16xf32>
      %select_n3A_788 = arith.select %gt3A_786, %get3A_785, %select_n3A_781 : vector<16xi1>, vector<16xi32>
      %get3A_789 = arith.constant 112 : index
      %get3A_790 = tpu.vector_load %arg7[%get3A_789] {strides = array<i32>} : memref<128xf32, #tpu.memory_space<vmem>>, vector<16xf32>,
      %get3A_791 = arith.constant 112 : index
      %get3A_792 = tpu.vector_load %arg8[%get3A_791] {strides = array<i32>} : memref<128xi32, #tpu.memory_space<vmem>>, vector<16xi32>,
      %gt3A_793 = arith.cmpf ogt, %get3A_790, %select_n3A_787 : vector<16xf32>
      %select_n3A_794 = arith.select %gt3A_793, %get3A_790, %select_n3A_787 : vector<16xi1>, vector<16xf32>
      %select_n3A_795 = arith.select %gt3A_793, %get3A_792, %select_n3A_788 : vector<16xi1>, vector<16xi32>
      %reduce_max3A = arith.constant true
      %reduce_max3A_796 = vector.broadcast %reduce_max3A : i1 to vector<16xi1>
      %reduce_max3A_797 = tpu.scan <max>, %select_n3A_794 masked %reduce_max3A_796 : vector<16xf32>, vector<16xi1> -> vector<16xf32>
      %reduce_max3A_798 = vector.extract %reduce_max3A_797[15] : f32 from vector<16xf32>
      %eq3A_799 = vector.broadcast %reduce_max3A_798 : f32 to vector<16xf32>
      %eq3A_800 = arith.cmpf oeq, %select_n3A_794, %eq3A_799 : vector<16xf32>
      %jit3A_801 = arith.constant 2147483647 : i32
      %broadcast_in_dim3A = vector.broadcast %jit3A_801 : i32 to vector<16xi32>
      %select_n3A_802 = arith.select %eq3A_800, %select_n3A_795, %broadcast_in_dim3A : vector<16xi1>, vector<16xi32>
      %reduce_min3A = arith.constant true
      %reduce_min3A_803 = vector.broadcast %reduce_min3A : i1 to vector<16xi1>
      %reduce_min3A_804 = arith.constant -2147483648 : i32
      %reduce_min3A_805 = vector.broadcast %reduce_min3A_804 : i32 to vector<16xi32>
      %reduce_min3A_806 = arith.xori %select_n3A_802, %reduce_min3A_805 : vector<16xi32>
      %reduce_min3A_807 = tpu.scan <min>, %reduce_min3A_806 masked %reduce_min3A_803 : vector<16xi32>, vector<16xi1> -> vector<16xi32>
      %reduce_min3A_808 = arith.xori %reduce_min3A_807, %reduce_min3A_805 : vector<16xi32>
      %reduce_min3A_809 = vector.extract %reduce_min3A_808[15] : i32 from vector<16xi32>
      %broadcast_in_dim3A_810 = vector.broadcast %scan3A_741 : i32 to vector<16xi32>
      %broadcast_in_dim3A_811 = vector.broadcast %reduce_max3A_798 : f32 to vector<16xf32>
      tpu.vector_store_idx %arg9[%broadcast_in_dim3A_810], %broadcast_in_dim3A_811 masked %eq3A_25 : memref<32xf32, #tpu.memory_space<vmem>>[vector<16xi32>], vector<16xf32>, vector<16xi1>
      %broadcast_in_dim3A_812 = vector.broadcast %scan3A_741 : i32 to vector<16xi32>
      %broadcast_in_dim3A_813 = vector.broadcast %reduce_min3A_809 : i32 to vector<16xi32>
      tpu.vector_store_idx %arg10[%broadcast_in_dim3A_812], %broadcast_in_dim3A_813 masked %eq3A_25 : memref<32xi32, #tpu.memory_space<vmem>>[vector<16xi32>], vector<16xi32>, vector<16xi1>
      %sub3A_814 = arith.subi %reduce_min3A_809, %add3A_23 : i32
      %broadcast_in_dim3A_815 = vector.broadcast %sub3A_814 : i32 to vector<16xi32>
      %broadcast_in_dim3A_816 = arith.constant 0xFF800000 : f32
      %broadcast_in_dim3A_817 = vector.broadcast %broadcast_in_dim3A_816 : f32 to vector<16xf32>
      tpu.vector_store_idx %arg6[%broadcast_in_dim3A_815], %broadcast_in_dim3A_817 masked %eq3A_25 : memref<1024xf32, #tpu.memory_space<vmem>>[vector<16xi32>], vector<16xf32>, vector<16xi1>
      %jit3A_818 = arith.constant 128 : i32
      %div3A_819 = arith.divsi %sub3A_814, %jit3A_818 : i32
      %sign3A_820 = arith.constant 0 : i32
      %sign3A_821 = arith.cmpi sgt, %sub3A_814, %sign3A_820 : i32
      %sign3A_822 = arith.extui %sign3A_821 : i1 to i32
      %sign3A_823 = arith.constant 0 : i32
      %sign3A_824 = arith.cmpi slt, %sub3A_814, %sign3A_823 : i32
      %sign3A_825 = arith.extui %sign3A_824 : i1 to i32
      %sign3A_826 = arith.subi %sign3A_822, %sign3A_825 : i32
      %sign3A_827 = arith.constant 0 : i32
      %sign3A_828 = arith.cmpi sgt, %jit3A_818, %sign3A_827 : i32
      %sign3A_829 = arith.extui %sign3A_828 : i1 to i32
      %sign3A_830 = arith.constant 0 : i32
      %sign3A_831 = arith.cmpi slt, %jit3A_818, %sign3A_830 : i32
      %sign3A_832 = arith.extui %sign3A_831 : i1 to i32
      %sign3A_833 = arith.subi %sign3A_829, %sign3A_832 : i32
      %ne3A_834 = arith.cmpi ne, %sign3A_826, %sign3A_833 : i32
      %rem3A_835 = arith.remsi %sub3A_814, %jit3A_818 : i32
      %ne3A_836 = arith.constant 0 : i32
      %ne3A_837 = arith.cmpi ne, %rem3A_835, %ne3A_836 : i32
      %and3A_838 = arith.andi %ne3A_834, %ne3A_837 : i1
      %sub3A_839 = arith.constant 1 : i32
      %sub3A_840 = arith.subi %div3A_819, %sub3A_839 : i32
      %select_n3A_841 = arith.select %and3A_838, %sub3A_840, %div3A_819 : i32
      %mul3A_842 = arith.constant 128 : i32
      %mul3A_843 = arith.muli %select_n3A_841, %mul3A_842 : i32
      %get3A_844 = arith.index_cast %mul3A_843 : i32 to index
      %get3A_845 = tpu.vector_load %arg6[%get3A_844] {strides = array<i32>} : memref<1024xf32, #tpu.memory_space<vmem>>, vector<16xf32>,
      %add3A_846 = arith.addi %add3A_23, %mul3A_843 : i32
      %add3A_847 = vector.broadcast %add3A_846 : i32 to vector<16xi32>
      %add3A_848 = arith.addi %iota3A, %add3A_847 : vector<16xi32>
      %add3A_849 = arith.constant 16 : i32
      %add3A_850 = arith.addi %mul3A_843, %add3A_849 : i32
      %get3A_851 = arith.index_cast %add3A_850 : i32 to index
      %get3A_852 = tpu.vector_load %arg6[%get3A_851] {strides = array<i32>} : memref<1024xf32, #tpu.memory_space<vmem>>, vector<16xf32>,
      %add3A_853 = arith.addi %add3A_23, %mul3A_843 : i32
      %add3A_854 = arith.constant 16 : i32
      %add3A_855 = arith.addi %add3A_853, %add3A_854 : i32
      %add3A_856 = vector.broadcast %add3A_855 : i32 to vector<16xi32>
      %add3A_857 = arith.addi %iota3A, %add3A_856 : vector<16xi32>
      %gt3A_858 = arith.cmpf ogt, %get3A_852, %get3A_845 : vector<16xf32>
      %select_n3A_859 = arith.select %gt3A_858, %get3A_852, %get3A_845 : vector<16xi1>, vector<16xf32>
      %select_n3A_860 = arith.select %gt3A_858, %add3A_857, %add3A_848 : vector<16xi1>, vector<16xi32>
      %add3A_861 = arith.constant 32 : i32
      %add3A_862 = arith.addi %mul3A_843, %add3A_861 : i32
      %get3A_863 = arith.index_cast %add3A_862 : i32 to index
      %get3A_864 = tpu.vector_load %arg6[%get3A_863] {strides = array<i32>} : memref<1024xf32, #tpu.memory_space<vmem>>, vector<16xf32>,
      %add3A_865 = arith.addi %add3A_23, %mul3A_843 : i32
      %add3A_866 = arith.constant 32 : i32
      %add3A_867 = arith.addi %add3A_865, %add3A_866 : i32
      %add3A_868 = vector.broadcast %add3A_867 : i32 to vector<16xi32>
      %add3A_869 = arith.addi %iota3A, %add3A_868 : vector<16xi32>
      %gt3A_870 = arith.cmpf ogt, %get3A_864, %select_n3A_859 : vector<16xf32>
      %select_n3A_871 = arith.select %gt3A_870, %get3A_864, %select_n3A_859 : vector<16xi1>, vector<16xf32>
      %select_n3A_872 = arith.select %gt3A_870, %add3A_869, %select_n3A_860 : vector<16xi1>, vector<16xi32>
      %add3A_873 = arith.constant 48 : i32
      %add3A_874 = arith.addi %mul3A_843, %add3A_873 : i32
      %get3A_875 = arith.index_cast %add3A_874 : i32 to index
      %get3A_876 = tpu.vector_load %arg6[%get3A_875] {strides = array<i32>} : memref<1024xf32, #tpu.memory_space<vmem>>, vector<16xf32>,
      %add3A_877 = arith.addi %add3A_23, %mul3A_843 : i32
      %add3A_878 = arith.constant 48 : i32
      %add3A_879 = arith.addi %add3A_877, %add3A_878 : i32
      %add3A_880 = vector.broadcast %add3A_879 : i32 to vector<16xi32>
      %add3A_881 = arith.addi %iota3A, %add3A_880 : vector<16xi32>
      %gt3A_882 = arith.cmpf ogt, %get3A_876, %select_n3A_871 : vector<16xf32>
      %select_n3A_883 = arith.select %gt3A_882, %get3A_876, %select_n3A_871 : vector<16xi1>, vector<16xf32>
      %select_n3A_884 = arith.select %gt3A_882, %add3A_881, %select_n3A_872 : vector<16xi1>, vector<16xi32>
      %add3A_885 = arith.constant 64 : i32
      %add3A_886 = arith.addi %mul3A_843, %add3A_885 : i32
      %get3A_887 = arith.index_cast %add3A_886 : i32 to index
      %get3A_888 = tpu.vector_load %arg6[%get3A_887] {strides = array<i32>} : memref<1024xf32, #tpu.memory_space<vmem>>, vector<16xf32>,
      %add3A_889 = arith.addi %add3A_23, %mul3A_843 : i32
      %add3A_890 = arith.constant 64 : i32
      %add3A_891 = arith.addi %add3A_889, %add3A_890 : i32
      %add3A_892 = vector.broadcast %add3A_891 : i32 to vector<16xi32>
      %add3A_893 = arith.addi %iota3A, %add3A_892 : vector<16xi32>
      %gt3A_894 = arith.cmpf ogt, %get3A_888, %select_n3A_883 : vector<16xf32>
      %select_n3A_895 = arith.select %gt3A_894, %get3A_888, %select_n3A_883 : vector<16xi1>, vector<16xf32>
      %select_n3A_896 = arith.select %gt3A_894, %add3A_893, %select_n3A_884 : vector<16xi1>, vector<16xi32>
      %add3A_897 = arith.constant 80 : i32
      %add3A_898 = arith.addi %mul3A_843, %add3A_897 : i32
      %get3A_899 = arith.index_cast %add3A_898 : i32 to index
      %get3A_900 = tpu.vector_load %arg6[%get3A_899] {strides = array<i32>} : memref<1024xf32, #tpu.memory_space<vmem>>, vector<16xf32>,
      %add3A_901 = arith.addi %add3A_23, %mul3A_843 : i32
      %add3A_902 = arith.constant 80 : i32
      %add3A_903 = arith.addi %add3A_901, %add3A_902 : i32
      %add3A_904 = vector.broadcast %add3A_903 : i32 to vector<16xi32>
      %add3A_905 = arith.addi %iota3A, %add3A_904 : vector<16xi32>
      %gt3A_906 = arith.cmpf ogt, %get3A_900, %select_n3A_895 : vector<16xf32>
      %select_n3A_907 = arith.select %gt3A_906, %get3A_900, %select_n3A_895 : vector<16xi1>, vector<16xf32>
      %select_n3A_908 = arith.select %gt3A_906, %add3A_905, %select_n3A_896 : vector<16xi1>, vector<16xi32>
      %add3A_909 = arith.constant 96 : i32
      %add3A_910 = arith.addi %mul3A_843, %add3A_909 : i32
      %get3A_911 = arith.index_cast %add3A_910 : i32 to index
      %get3A_912 = tpu.vector_load %arg6[%get3A_911] {strides = array<i32>} : memref<1024xf32, #tpu.memory_space<vmem>>, vector<16xf32>,
      %add3A_913 = arith.addi %add3A_23, %mul3A_843 : i32
      %add3A_914 = arith.constant 96 : i32
      %add3A_915 = arith.addi %add3A_913, %add3A_914 : i32
      %add3A_916 = vector.broadcast %add3A_915 : i32 to vector<16xi32>
      %add3A_917 = arith.addi %iota3A, %add3A_916 : vector<16xi32>
      %gt3A_918 = arith.cmpf ogt, %get3A_912, %select_n3A_907 : vector<16xf32>
      %select_n3A_919 = arith.select %gt3A_918, %get3A_912, %select_n3A_907 : vector<16xi1>, vector<16xf32>
      %select_n3A_920 = arith.select %gt3A_918, %add3A_917, %select_n3A_908 : vector<16xi1>, vector<16xi32>
      %add3A_921 = arith.constant 112 : i32
      %add3A_922 = arith.addi %mul3A_843, %add3A_921 : i32
      %get3A_923 = arith.index_cast %add3A_922 : i32 to index
      %get3A_924 = tpu.vector_load %arg6[%get3A_923] {strides = array<i32>} : memref<1024xf32, #tpu.memory_space<vmem>>, vector<16xf32>,
      %add3A_925 = arith.addi %add3A_23, %mul3A_843 : i32
      %add3A_926 = arith.constant 112 : i32
      %add3A_927 = arith.addi %add3A_925, %add3A_926 : i32
      %add3A_928 = vector.broadcast %add3A_927 : i32 to vector<16xi32>
      %add3A_929 = arith.addi %iota3A, %add3A_928 : vector<16xi32>
      %gt3A_930 = arith.cmpf ogt, %get3A_924, %select_n3A_919 : vector<16xf32>
      %select_n3A_931 = arith.select %gt3A_930, %get3A_924, %select_n3A_919 : vector<16xi1>, vector<16xf32>
      %select_n3A_932 = arith.select %gt3A_930, %add3A_929, %select_n3A_920 : vector<16xi1>, vector<16xi32>
      %mul3A_933 = arith.constant 16 : i32
      %mul3A_934 = arith.muli %select_n3A_841, %mul3A_933 : i32
      %swap3A_935 = arith.index_cast %mul3A_934 : i32 to index
      %swap3A_936 = tpu.vector_load %arg7[%swap3A_935] {strides = array<i32>} : memref<128xf32, #tpu.memory_space<vmem>>, vector<16xf32>,
      tpu.vector_store %arg7[%swap3A_935], %select_n3A_931 {strides = array<i32>} : memref<128xf32, #tpu.memory_space<vmem>>, vector<16xf32>,
      %mul3A_937 = arith.constant 16 : i32
      %mul3A_938 = arith.muli %select_n3A_841, %mul3A_937 : i32
      %swap3A_939 = arith.index_cast %mul3A_938 : i32 to index
      %swap3A_940 = tpu.vector_load %arg8[%swap3A_939] {strides = array<i32>} : memref<128xi32, #tpu.memory_space<vmem>>, vector<16xi32>,
      tpu.vector_store %arg8[%swap3A_939], %select_n3A_932 {strides = array<i32>} : memref<128xi32, #tpu.memory_space<vmem>>, vector<16xi32>,
      %scan3A_941 = arith.constant 0 : i32
      scf.yield %scan3A_941 : i32
    }
    %scan3A_724 = arith.constant 32 : i32
    %mul3A_725 = arith.constant 32 : i32
    %mul3A_726 = arith.muli %arg1, %mul3A_725 : i32
    "tpu.region"() ({
      %run_scoped3A = tpu.sem_alloc : memref<!tpu.dma_semaphore, #tpu.memory_space<semaphore_mem>>
      %dma_start3A = tpu.memref_slice %arg18[%mul3A_726] : memref<512xf32, #tpu.memory_space<vmem_shared>> -> memref<32xf32, #tpu.memory_space<vmem_shared>>
      %dma_start3A_741 = tpu.memref_slice %arg18[%mul3A_726] : memref<512xf32, #tpu.memory_space<vmem_shared>> -> memref<32xf32, #tpu.memory_space<vmem_shared>>
      tpu.enqueue_dma source(%arg9 : memref<32xf32, #tpu.memory_space<vmem>>) target(%dma_start3A_741 : memref<32xf32, #tpu.memory_space<vmem_shared>>) target_semaphore(%run_scoped3A : memref<!tpu.dma_semaphore, #tpu.memory_space<semaphore_mem>>)
      %dma_wait3A = tpu.memref_slice %arg18[%mul3A_726] : memref<512xf32, #tpu.memory_space<vmem_shared>> -> memref<32xf32, #tpu.memory_space<vmem_shared>>
      %dma_wait3A_742 = tpu.memref_slice %arg18[%mul3A_726] : memref<512xf32, #tpu.memory_space<vmem_shared>> -> memref<32xf32, #tpu.memory_space<vmem_shared>>
      tpu.wait_dma2 semaphore(%run_scoped3A : memref<!tpu.dma_semaphore, #tpu.memory_space<semaphore_mem>>) src(%arg9 : memref<32xf32, #tpu.memory_space<vmem>>) dst(%dma_wait3A_742 : memref<32xf32, #tpu.memory_space<vmem_shared>>)
      tpu.yield
    }) : () -> ()
    %mul3A_727 = arith.constant 32 : i32
    %mul3A_728 = arith.muli %arg1, %mul3A_727 : i32
    "tpu.region"() ({
      %run_scoped3A = tpu.sem_alloc : memref<!tpu.dma_semaphore, #tpu.memory_space<semaphore_mem>>
      %dma_start3A = tpu.memref_slice %arg19[%mul3A_728] : memref<512xi32, #tpu.memory_space<vmem_shared>> -> memref<32xi32, #tpu.memory_space<vmem_shared>>
      %dma_start3A_741 = tpu.memref_slice %arg19[%mul3A_728] : memref<512xi32, #tpu.memory_space<vmem_shared>> -> memref<32xi32, #tpu.memory_space<vmem_shared>>
      tpu.enqueue_dma source(%arg10 : memref<32xi32, #tpu.memory_space<vmem>>) target(%dma_start3A_741 : memref<32xi32, #tpu.memory_space<vmem_shared>>) target_semaphore(%run_scoped3A : memref<!tpu.dma_semaphore, #tpu.memory_space<semaphore_mem>>)
      %dma_wait3A = tpu.memref_slice %arg19[%mul3A_728] : memref<512xi32, #tpu.memory_space<vmem_shared>> -> memref<32xi32, #tpu.memory_space<vmem_shared>>
      %dma_wait3A_742 = tpu.memref_slice %arg19[%mul3A_728] : memref<512xi32, #tpu.memory_space<vmem_shared>> -> memref<32xi32, #tpu.memory_space<vmem_shared>>
      tpu.wait_dma2 semaphore(%run_scoped3A : memref<!tpu.dma_semaphore, #tpu.memory_space<semaphore_mem>>) src(%arg10 : memref<32xi32, #tpu.memory_space<vmem>>) dst(%dma_wait3A_742 : memref<32xi32, #tpu.memory_space<vmem_shared>>)
      tpu.yield
    }) : () -> ()
    %barrier3A = arith.constant 0 : index
    tpu.barrier barrier_id(%barrier3A)
    %rem3A_729 = arith.constant 8 : i32
    %rem3A_730 = arith.remsi %arg1, %rem3A_729 : i32
    %eq3A_731 = arith.constant 0 : i32
    %eq3A_732 = arith.cmpi eq, %rem3A_730, %eq3A_731 : i32
    %convert_element_type3A = arith.extui %eq3A_732 : i1 to i32
    %cond3A = arith.constant 0 : i32
    %cond3A_733 = arith.cmpi ne, %convert_element_type3A, %cond3A : i32
    scf.if %cond3A_733 {
      %mul3A_741 = arith.constant 8 : i32
      %mul3A_742 = arith.muli %select_n3A, %mul3A_741 : i32
      %mul3A_743 = arith.constant 32 : i32
      %mul3A_744 = arith.muli %mul3A_742, %mul3A_743 : i32
      "tpu.region"() ({
        %run_scoped3A = tpu.sem_alloc : memref<!tpu.dma_semaphore, #tpu.memory_space<semaphore_mem>>
        %dma_start3A = tpu.memref_slice %arg18[%mul3A_744] : memref<512xf32, #tpu.memory_space<vmem_shared>> -> memref<256xf32, #tpu.memory_space<vmem_shared>>
        %dma_start3A_779 = tpu.memref_slice %arg18[%mul3A_744] : memref<512xf32, #tpu.memory_space<vmem_shared>> -> memref<256xf32, #tpu.memory_space<vmem_shared>>
        tpu.enqueue_dma source(%dma_start3A_779 : memref<256xf32, #tpu.memory_space<vmem_shared>>) target(%arg11 : memref<256xf32, #tpu.memory_space<vmem>>) target_semaphore(%run_scoped3A : memref<!tpu.dma_semaphore, #tpu.memory_space<semaphore_mem>>)
        %dma_wait3A = tpu.memref_slice %arg18[%mul3A_744] : memref<512xf32, #tpu.memory_space<vmem_shared>> -> memref<256xf32, #tpu.memory_space<vmem_shared>>
        %dma_wait3A_780 = tpu.memref_slice %arg18[%mul3A_744] : memref<512xf32, #tpu.memory_space<vmem_shared>> -> memref<256xf32, #tpu.memory_space<vmem_shared>>
        tpu.wait_dma2 semaphore(%run_scoped3A : memref<!tpu.dma_semaphore, #tpu.memory_space<semaphore_mem>>) src(%dma_wait3A_780 : memref<256xf32, #tpu.memory_space<vmem_shared>>) dst(%arg11 : memref<256xf32, #tpu.memory_space<vmem>>)
        tpu.yield
      }) : () -> ()
      %mul3A_745 = arith.constant 32 : i32
      %mul3A_746 = arith.muli %mul3A_742, %mul3A_745 : i32
      "tpu.region"() ({
        %run_scoped3A = tpu.sem_alloc : memref<!tpu.dma_semaphore, #tpu.memory_space<semaphore_mem>>
        %dma_start3A = tpu.memref_slice %arg19[%mul3A_746] : memref<512xi32, #tpu.memory_space<vmem_shared>> -> memref<256xi32, #tpu.memory_space<vmem_shared>>
        %dma_start3A_779 = tpu.memref_slice %arg19[%mul3A_746] : memref<512xi32, #tpu.memory_space<vmem_shared>> -> memref<256xi32, #tpu.memory_space<vmem_shared>>
        tpu.enqueue_dma source(%dma_start3A_779 : memref<256xi32, #tpu.memory_space<vmem_shared>>) target(%arg12 : memref<256xi32, #tpu.memory_space<vmem>>) target_semaphore(%run_scoped3A : memref<!tpu.dma_semaphore, #tpu.memory_space<semaphore_mem>>)
        %dma_wait3A = tpu.memref_slice %arg19[%mul3A_746] : memref<512xi32, #tpu.memory_space<vmem_shared>> -> memref<256xi32, #tpu.memory_space<vmem_shared>>
        %dma_wait3A_780 = tpu.memref_slice %arg19[%mul3A_746] : memref<512xi32, #tpu.memory_space<vmem_shared>> -> memref<256xi32, #tpu.memory_space<vmem_shared>>
        tpu.wait_dma2 semaphore(%run_scoped3A : memref<!tpu.dma_semaphore, #tpu.memory_space<semaphore_mem>>) src(%dma_wait3A_780 : memref<256xi32, #tpu.memory_space<vmem_shared>>) dst(%arg12 : memref<256xi32, #tpu.memory_space<vmem>>)
        tpu.yield
      }) : () -> ()
      %scan3A_747 = arith.constant 0 : i32
      %scan3A_748 = arith.constant 0 : i32
      %scan3A_749 = arith.constant 32 : i32
      %scan3A_750 = arith.addi %scan3A_748, %scan3A_749 : i32
      %scan3A_751 = arith.constant 1 : i32
      %scan3A_752 = scf.for %scan3A_779 = %scan3A_748 to %scan3A_750 step %scan3A_751 iter_args(%scan3A_780 = %scan3A_747) -> (i32)  : i32 {
        %get3A_781 = arith.constant 0 : index
        %get3A_782 = tpu.vector_load %arg11[%get3A_781] {strides = array<i32>} : memref<256xf32, #tpu.memory_space<vmem>>, vector<16xf32>,
        %get3A_783 = arith.constant 0 : index
        %get3A_784 = tpu.vector_load %arg12[%get3A_783] {strides = array<i32>} : memref<256xi32, #tpu.memory_space<vmem>>, vector<16xi32>,
        %get3A_785 = arith.constant 16 : index
        %get3A_786 = tpu.vector_load %arg11[%get3A_785] {strides = array<i32>} : memref<256xf32, #tpu.memory_space<vmem>>, vector<16xf32>,
        %get3A_787 = arith.constant 16 : index
        %get3A_788 = tpu.vector_load %arg12[%get3A_787] {strides = array<i32>} : memref<256xi32, #tpu.memory_space<vmem>>, vector<16xi32>,
        %add3A_789 = arith.constant 16 : i32
        %add3A_790 = vector.broadcast %add3A_789 : i32 to vector<16xi32>
        %add3A_791 = arith.addi %iota3A, %add3A_790 : vector<16xi32>
        %gt3A_792 = arith.cmpf ogt, %get3A_786, %get3A_782 : vector<16xf32>
        %eq3A_793 = arith.cmpf oeq, %get3A_786, %get3A_782 : vector<16xf32>
        %lt3A_794 = arith.cmpi slt, %get3A_788, %get3A_784 : vector<16xi32>
        %and3A_795 = arith.andi %eq3A_793, %lt3A_794 : vector<16xi1>
        %or3A = arith.ori %gt3A_792, %and3A_795 : vector<16xi1>
        %select_n3A_796 = arith.select %or3A, %get3A_786, %get3A_782 : vector<16xi1>, vector<16xf32>
        %select_n3A_797 = arith.select %or3A, %get3A_788, %get3A_784 : vector<16xi1>, vector<16xi32>
        %select_n3A_798 = arith.select %or3A, %add3A_791, %iota3A : vector<16xi1>, vector<16xi32>
        %get3A_799 = arith.constant 32 : index
        %get3A_800 = tpu.vector_load %arg11[%get3A_799] {strides = array<i32>} : memref<256xf32, #tpu.memory_space<vmem>>, vector<16xf32>,
        %get3A_801 = arith.constant 32 : index
        %get3A_802 = tpu.vector_load %arg12[%get3A_801] {strides = array<i32>} : memref<256xi32, #tpu.memory_space<vmem>>, vector<16xi32>,
        %add3A_803 = arith.constant 32 : i32
        %add3A_804 = vector.broadcast %add3A_803 : i32 to vector<16xi32>
        %add3A_805 = arith.addi %iota3A, %add3A_804 : vector<16xi32>
        %gt3A_806 = arith.cmpf ogt, %get3A_800, %select_n3A_796 : vector<16xf32>
        %eq3A_807 = arith.cmpf oeq, %get3A_800, %select_n3A_796 : vector<16xf32>
        %lt3A_808 = arith.cmpi slt, %get3A_802, %select_n3A_797 : vector<16xi32>
        %and3A_809 = arith.andi %eq3A_807, %lt3A_808 : vector<16xi1>
        %or3A_810 = arith.ori %gt3A_806, %and3A_809 : vector<16xi1>
        %select_n3A_811 = arith.select %or3A_810, %get3A_800, %select_n3A_796 : vector<16xi1>, vector<16xf32>
        %select_n3A_812 = arith.select %or3A_810, %get3A_802, %select_n3A_797 : vector<16xi1>, vector<16xi32>
        %select_n3A_813 = arith.select %or3A_810, %add3A_805, %select_n3A_798 : vector<16xi1>, vector<16xi32>
        %get3A_814 = arith.constant 48 : index
        %get3A_815 = tpu.vector_load %arg11[%get3A_814] {strides = array<i32>} : memref<256xf32, #tpu.memory_space<vmem>>, vector<16xf32>,
        %get3A_816 = arith.constant 48 : index
        %get3A_817 = tpu.vector_load %arg12[%get3A_816] {strides = array<i32>} : memref<256xi32, #tpu.memory_space<vmem>>, vector<16xi32>,
        %add3A_818 = arith.constant 48 : i32
        %add3A_819 = vector.broadcast %add3A_818 : i32 to vector<16xi32>
        %add3A_820 = arith.addi %iota3A, %add3A_819 : vector<16xi32>
        %gt3A_821 = arith.cmpf ogt, %get3A_815, %select_n3A_811 : vector<16xf32>
        %eq3A_822 = arith.cmpf oeq, %get3A_815, %select_n3A_811 : vector<16xf32>
        %lt3A_823 = arith.cmpi slt, %get3A_817, %select_n3A_812 : vector<16xi32>
        %and3A_824 = arith.andi %eq3A_822, %lt3A_823 : vector<16xi1>
        %or3A_825 = arith.ori %gt3A_821, %and3A_824 : vector<16xi1>
        %select_n3A_826 = arith.select %or3A_825, %get3A_815, %select_n3A_811 : vector<16xi1>, vector<16xf32>
        %select_n3A_827 = arith.select %or3A_825, %get3A_817, %select_n3A_812 : vector<16xi1>, vector<16xi32>
        %select_n3A_828 = arith.select %or3A_825, %add3A_820, %select_n3A_813 : vector<16xi1>, vector<16xi32>
        %get3A_829 = arith.constant 64 : index
        %get3A_830 = tpu.vector_load %arg11[%get3A_829] {strides = array<i32>} : memref<256xf32, #tpu.memory_space<vmem>>, vector<16xf32>,
        %get3A_831 = arith.constant 64 : index
        %get3A_832 = tpu.vector_load %arg12[%get3A_831] {strides = array<i32>} : memref<256xi32, #tpu.memory_space<vmem>>, vector<16xi32>,
        %add3A_833 = arith.constant 64 : i32
        %add3A_834 = vector.broadcast %add3A_833 : i32 to vector<16xi32>
        %add3A_835 = arith.addi %iota3A, %add3A_834 : vector<16xi32>
        %gt3A_836 = arith.cmpf ogt, %get3A_830, %select_n3A_826 : vector<16xf32>
        %eq3A_837 = arith.cmpf oeq, %get3A_830, %select_n3A_826 : vector<16xf32>
        %lt3A_838 = arith.cmpi slt, %get3A_832, %select_n3A_827 : vector<16xi32>
        %and3A_839 = arith.andi %eq3A_837, %lt3A_838 : vector<16xi1>
        %or3A_840 = arith.ori %gt3A_836, %and3A_839 : vector<16xi1>
        %select_n3A_841 = arith.select %or3A_840, %get3A_830, %select_n3A_826 : vector<16xi1>, vector<16xf32>
        %select_n3A_842 = arith.select %or3A_840, %get3A_832, %select_n3A_827 : vector<16xi1>, vector<16xi32>
        %select_n3A_843 = arith.select %or3A_840, %add3A_835, %select_n3A_828 : vector<16xi1>, vector<16xi32>
        %get3A_844 = arith.constant 80 : index
        %get3A_845 = tpu.vector_load %arg11[%get3A_844] {strides = array<i32>} : memref<256xf32, #tpu.memory_space<vmem>>, vector<16xf32>,
        %get3A_846 = arith.constant 80 : index
        %get3A_847 = tpu.vector_load %arg12[%get3A_846] {strides = array<i32>} : memref<256xi32, #tpu.memory_space<vmem>>, vector<16xi32>,
        %add3A_848 = arith.constant 80 : i32
        %add3A_849 = vector.broadcast %add3A_848 : i32 to vector<16xi32>
        %add3A_850 = arith.addi %iota3A, %add3A_849 : vector<16xi32>
        %gt3A_851 = arith.cmpf ogt, %get3A_845, %select_n3A_841 : vector<16xf32>
        %eq3A_852 = arith.cmpf oeq, %get3A_845, %select_n3A_841 : vector<16xf32>
        %lt3A_853 = arith.cmpi slt, %get3A_847, %select_n3A_842 : vector<16xi32>
        %and3A_854 = arith.andi %eq3A_852, %lt3A_853 : vector<16xi1>
        %or3A_855 = arith.ori %gt3A_851, %and3A_854 : vector<16xi1>
        %select_n3A_856 = arith.select %or3A_855, %get3A_845, %select_n3A_841 : vector<16xi1>, vector<16xf32>
        %select_n3A_857 = arith.select %or3A_855, %get3A_847, %select_n3A_842 : vector<16xi1>, vector<16xi32>
        %select_n3A_858 = arith.select %or3A_855, %add3A_850, %select_n3A_843 : vector<16xi1>, vector<16xi32>
        %get3A_859 = arith.constant 96 : index
        %get3A_860 = tpu.vector_load %arg11[%get3A_859] {strides = array<i32>} : memref<256xf32, #tpu.memory_space<vmem>>, vector<16xf32>,
        %get3A_861 = arith.constant 96 : index
        %get3A_862 = tpu.vector_load %arg12[%get3A_861] {strides = array<i32>} : memref<256xi32, #tpu.memory_space<vmem>>, vector<16xi32>,
        %add3A_863 = arith.constant 96 : i32
        %add3A_864 = vector.broadcast %add3A_863 : i32 to vector<16xi32>
        %add3A_865 = arith.addi %iota3A, %add3A_864 : vector<16xi32>
        %gt3A_866 = arith.cmpf ogt, %get3A_860, %select_n3A_856 : vector<16xf32>
        %eq3A_867 = arith.cmpf oeq, %get3A_860, %select_n3A_856 : vector<16xf32>
        %lt3A_868 = arith.cmpi slt, %get3A_862, %select_n3A_857 : vector<16xi32>
        %and3A_869 = arith.andi %eq3A_867, %lt3A_868 : vector<16xi1>
        %or3A_870 = arith.ori %gt3A_866, %and3A_869 : vector<16xi1>
        %select_n3A_871 = arith.select %or3A_870, %get3A_860, %select_n3A_856 : vector<16xi1>, vector<16xf32>
        %select_n3A_872 = arith.select %or3A_870, %get3A_862, %select_n3A_857 : vector<16xi1>, vector<16xi32>
        %select_n3A_873 = arith.select %or3A_870, %add3A_865, %select_n3A_858 : vector<16xi1>, vector<16xi32>
        %get3A_874 = arith.constant 112 : index
        %get3A_875 = tpu.vector_load %arg11[%get3A_874] {strides = array<i32>} : memref<256xf32, #tpu.memory_space<vmem>>, vector<16xf32>,
        %get3A_876 = arith.constant 112 : index
        %get3A_877 = tpu.vector_load %arg12[%get3A_876] {strides = array<i32>} : memref<256xi32, #tpu.memory_space<vmem>>, vector<16xi32>,
        %add3A_878 = arith.constant 112 : i32
        %add3A_879 = vector.broadcast %add3A_878 : i32 to vector<16xi32>
        %add3A_880 = arith.addi %iota3A, %add3A_879 : vector<16xi32>
        %gt3A_881 = arith.cmpf ogt, %get3A_875, %select_n3A_871 : vector<16xf32>
        %eq3A_882 = arith.cmpf oeq, %get3A_875, %select_n3A_871 : vector<16xf32>
        %lt3A_883 = arith.cmpi slt, %get3A_877, %select_n3A_872 : vector<16xi32>
        %and3A_884 = arith.andi %eq3A_882, %lt3A_883 : vector<16xi1>
        %or3A_885 = arith.ori %gt3A_881, %and3A_884 : vector<16xi1>
        %select_n3A_886 = arith.select %or3A_885, %get3A_875, %select_n3A_871 : vector<16xi1>, vector<16xf32>
        %select_n3A_887 = arith.select %or3A_885, %get3A_877, %select_n3A_872 : vector<16xi1>, vector<16xi32>
        %select_n3A_888 = arith.select %or3A_885, %add3A_880, %select_n3A_873 : vector<16xi1>, vector<16xi32>
        %get3A_889 = arith.constant 128 : index
        %get3A_890 = tpu.vector_load %arg11[%get3A_889] {strides = array<i32>} : memref<256xf32, #tpu.memory_space<vmem>>, vector<16xf32>,
        %get3A_891 = arith.constant 128 : index
        %get3A_892 = tpu.vector_load %arg12[%get3A_891] {strides = array<i32>} : memref<256xi32, #tpu.memory_space<vmem>>, vector<16xi32>,
        %add3A_893 = arith.constant 128 : i32
        %add3A_894 = vector.broadcast %add3A_893 : i32 to vector<16xi32>
        %add3A_895 = arith.addi %iota3A, %add3A_894 : vector<16xi32>
        %gt3A_896 = arith.cmpf ogt, %get3A_890, %select_n3A_886 : vector<16xf32>
        %eq3A_897 = arith.cmpf oeq, %get3A_890, %select_n3A_886 : vector<16xf32>
        %lt3A_898 = arith.cmpi slt, %get3A_892, %select_n3A_887 : vector<16xi32>
        %and3A_899 = arith.andi %eq3A_897, %lt3A_898 : vector<16xi1>
        %or3A_900 = arith.ori %gt3A_896, %and3A_899 : vector<16xi1>
        %select_n3A_901 = arith.select %or3A_900, %get3A_890, %select_n3A_886 : vector<16xi1>, vector<16xf32>
        %select_n3A_902 = arith.select %or3A_900, %get3A_892, %select_n3A_887 : vector<16xi1>, vector<16xi32>
        %select_n3A_903 = arith.select %or3A_900, %add3A_895, %select_n3A_888 : vector<16xi1>, vector<16xi32>
        %get3A_904 = arith.constant 144 : index
        %get3A_905 = tpu.vector_load %arg11[%get3A_904] {strides = array<i32>} : memref<256xf32, #tpu.memory_space<vmem>>, vector<16xf32>,
        %get3A_906 = arith.constant 144 : index
        %get3A_907 = tpu.vector_load %arg12[%get3A_906] {strides = array<i32>} : memref<256xi32, #tpu.memory_space<vmem>>, vector<16xi32>,
        %add3A_908 = arith.constant 144 : i32
        %add3A_909 = vector.broadcast %add3A_908 : i32 to vector<16xi32>
        %add3A_910 = arith.addi %iota3A, %add3A_909 : vector<16xi32>
        %gt3A_911 = arith.cmpf ogt, %get3A_905, %select_n3A_901 : vector<16xf32>
        %eq3A_912 = arith.cmpf oeq, %get3A_905, %select_n3A_901 : vector<16xf32>
        %lt3A_913 = arith.cmpi slt, %get3A_907, %select_n3A_902 : vector<16xi32>
        %and3A_914 = arith.andi %eq3A_912, %lt3A_913 : vector<16xi1>
        %or3A_915 = arith.ori %gt3A_911, %and3A_914 : vector<16xi1>
        %select_n3A_916 = arith.select %or3A_915, %get3A_905, %select_n3A_901 : vector<16xi1>, vector<16xf32>
        %select_n3A_917 = arith.select %or3A_915, %get3A_907, %select_n3A_902 : vector<16xi1>, vector<16xi32>
        %select_n3A_918 = arith.select %or3A_915, %add3A_910, %select_n3A_903 : vector<16xi1>, vector<16xi32>
        %get3A_919 = arith.constant 160 : index
        %get3A_920 = tpu.vector_load %arg11[%get3A_919] {strides = array<i32>} : memref<256xf32, #tpu.memory_space<vmem>>, vector<16xf32>,
        %get3A_921 = arith.constant 160 : index
        %get3A_922 = tpu.vector_load %arg12[%get3A_921] {strides = array<i32>} : memref<256xi32, #tpu.memory_space<vmem>>, vector<16xi32>,
        %add3A_923 = arith.constant 160 : i32
        %add3A_924 = vector.broadcast %add3A_923 : i32 to vector<16xi32>
        %add3A_925 = arith.addi %iota3A, %add3A_924 : vector<16xi32>
        %gt3A_926 = arith.cmpf ogt, %get3A_920, %select_n3A_916 : vector<16xf32>
        %eq3A_927 = arith.cmpf oeq, %get3A_920, %select_n3A_916 : vector<16xf32>
        %lt3A_928 = arith.cmpi slt, %get3A_922, %select_n3A_917 : vector<16xi32>
        %and3A_929 = arith.andi %eq3A_927, %lt3A_928 : vector<16xi1>
        %or3A_930 = arith.ori %gt3A_926, %and3A_929 : vector<16xi1>
        %select_n3A_931 = arith.select %or3A_930, %get3A_920, %select_n3A_916 : vector<16xi1>, vector<16xf32>
        %select_n3A_932 = arith.select %or3A_930, %get3A_922, %select_n3A_917 : vector<16xi1>, vector<16xi32>
        %select_n3A_933 = arith.select %or3A_930, %add3A_925, %select_n3A_918 : vector<16xi1>, vector<16xi32>
        %get3A_934 = arith.constant 176 : index
        %get3A_935 = tpu.vector_load %arg11[%get3A_934] {strides = array<i32>} : memref<256xf32, #tpu.memory_space<vmem>>, vector<16xf32>,
        %get3A_936 = arith.constant 176 : index
        %get3A_937 = tpu.vector_load %arg12[%get3A_936] {strides = array<i32>} : memref<256xi32, #tpu.memory_space<vmem>>, vector<16xi32>,
        %add3A_938 = arith.constant 176 : i32
        %add3A_939 = vector.broadcast %add3A_938 : i32 to vector<16xi32>
        %add3A_940 = arith.addi %iota3A, %add3A_939 : vector<16xi32>
        %gt3A_941 = arith.cmpf ogt, %get3A_935, %select_n3A_931 : vector<16xf32>
        %eq3A_942 = arith.cmpf oeq, %get3A_935, %select_n3A_931 : vector<16xf32>
        %lt3A_943 = arith.cmpi slt, %get3A_937, %select_n3A_932 : vector<16xi32>
        %and3A_944 = arith.andi %eq3A_942, %lt3A_943 : vector<16xi1>
        %or3A_945 = arith.ori %gt3A_941, %and3A_944 : vector<16xi1>
        %select_n3A_946 = arith.select %or3A_945, %get3A_935, %select_n3A_931 : vector<16xi1>, vector<16xf32>
        %select_n3A_947 = arith.select %or3A_945, %get3A_937, %select_n3A_932 : vector<16xi1>, vector<16xi32>
        %select_n3A_948 = arith.select %or3A_945, %add3A_940, %select_n3A_933 : vector<16xi1>, vector<16xi32>
        %get3A_949 = arith.constant 192 : index
        %get3A_950 = tpu.vector_load %arg11[%get3A_949] {strides = array<i32>} : memref<256xf32, #tpu.memory_space<vmem>>, vector<16xf32>,
        %get3A_951 = arith.constant 192 : index
        %get3A_952 = tpu.vector_load %arg12[%get3A_951] {strides = array<i32>} : memref<256xi32, #tpu.memory_space<vmem>>, vector<16xi32>,
        %add3A_953 = arith.constant 192 : i32
        %add3A_954 = vector.broadcast %add3A_953 : i32 to vector<16xi32>
        %add3A_955 = arith.addi %iota3A, %add3A_954 : vector<16xi32>
        %gt3A_956 = arith.cmpf ogt, %get3A_950, %select_n3A_946 : vector<16xf32>
        %eq3A_957 = arith.cmpf oeq, %get3A_950, %select_n3A_946 : vector<16xf32>
        %lt3A_958 = arith.cmpi slt, %get3A_952, %select_n3A_947 : vector<16xi32>
        %and3A_959 = arith.andi %eq3A_957, %lt3A_958 : vector<16xi1>
        %or3A_960 = arith.ori %gt3A_956, %and3A_959 : vector<16xi1>
        %select_n3A_961 = arith.select %or3A_960, %get3A_950, %select_n3A_946 : vector<16xi1>, vector<16xf32>
        %select_n3A_962 = arith.select %or3A_960, %get3A_952, %select_n3A_947 : vector<16xi1>, vector<16xi32>
        %select_n3A_963 = arith.select %or3A_960, %add3A_955, %select_n3A_948 : vector<16xi1>, vector<16xi32>
        %get3A_964 = arith.constant 208 : index
        %get3A_965 = tpu.vector_load %arg11[%get3A_964] {strides = array<i32>} : memref<256xf32, #tpu.memory_space<vmem>>, vector<16xf32>,
        %get3A_966 = arith.constant 208 : index
        %get3A_967 = tpu.vector_load %arg12[%get3A_966] {strides = array<i32>} : memref<256xi32, #tpu.memory_space<vmem>>, vector<16xi32>,
        %add3A_968 = arith.constant 208 : i32
        %add3A_969 = vector.broadcast %add3A_968 : i32 to vector<16xi32>
        %add3A_970 = arith.addi %iota3A, %add3A_969 : vector<16xi32>
        %gt3A_971 = arith.cmpf ogt, %get3A_965, %select_n3A_961 : vector<16xf32>
        %eq3A_972 = arith.cmpf oeq, %get3A_965, %select_n3A_961 : vector<16xf32>
        %lt3A_973 = arith.cmpi slt, %get3A_967, %select_n3A_962 : vector<16xi32>
        %and3A_974 = arith.andi %eq3A_972, %lt3A_973 : vector<16xi1>
        %or3A_975 = arith.ori %gt3A_971, %and3A_974 : vector<16xi1>
        %select_n3A_976 = arith.select %or3A_975, %get3A_965, %select_n3A_961 : vector<16xi1>, vector<16xf32>
        %select_n3A_977 = arith.select %or3A_975, %get3A_967, %select_n3A_962 : vector<16xi1>, vector<16xi32>
        %select_n3A_978 = arith.select %or3A_975, %add3A_970, %select_n3A_963 : vector<16xi1>, vector<16xi32>
        %get3A_979 = arith.constant 224 : index
        %get3A_980 = tpu.vector_load %arg11[%get3A_979] {strides = array<i32>} : memref<256xf32, #tpu.memory_space<vmem>>, vector<16xf32>,
        %get3A_981 = arith.constant 224 : index
        %get3A_982 = tpu.vector_load %arg12[%get3A_981] {strides = array<i32>} : memref<256xi32, #tpu.memory_space<vmem>>, vector<16xi32>,
        %add3A_983 = arith.constant 224 : i32
        %add3A_984 = vector.broadcast %add3A_983 : i32 to vector<16xi32>
        %add3A_985 = arith.addi %iota3A, %add3A_984 : vector<16xi32>
        %gt3A_986 = arith.cmpf ogt, %get3A_980, %select_n3A_976 : vector<16xf32>
        %eq3A_987 = arith.cmpf oeq, %get3A_980, %select_n3A_976 : vector<16xf32>
        %lt3A_988 = arith.cmpi slt, %get3A_982, %select_n3A_977 : vector<16xi32>
        %and3A_989 = arith.andi %eq3A_987, %lt3A_988 : vector<16xi1>
        %or3A_990 = arith.ori %gt3A_986, %and3A_989 : vector<16xi1>
        %select_n3A_991 = arith.select %or3A_990, %get3A_980, %select_n3A_976 : vector<16xi1>, vector<16xf32>
        %select_n3A_992 = arith.select %or3A_990, %get3A_982, %select_n3A_977 : vector<16xi1>, vector<16xi32>
        %select_n3A_993 = arith.select %or3A_990, %add3A_985, %select_n3A_978 : vector<16xi1>, vector<16xi32>
        %get3A_994 = arith.constant 240 : index
        %get3A_995 = tpu.vector_load %arg11[%get3A_994] {strides = array<i32>} : memref<256xf32, #tpu.memory_space<vmem>>, vector<16xf32>,
        %get3A_996 = arith.constant 240 : index
        %get3A_997 = tpu.vector_load %arg12[%get3A_996] {strides = array<i32>} : memref<256xi32, #tpu.memory_space<vmem>>, vector<16xi32>,
        %add3A_998 = arith.constant 240 : i32
        %add3A_999 = vector.broadcast %add3A_998 : i32 to vector<16xi32>
        %add3A_1000 = arith.addi %iota3A, %add3A_999 : vector<16xi32>
        %gt3A_1001 = arith.cmpf ogt, %get3A_995, %select_n3A_991 : vector<16xf32>
        %eq3A_1002 = arith.cmpf oeq, %get3A_995, %select_n3A_991 : vector<16xf32>
        %lt3A_1003 = arith.cmpi slt, %get3A_997, %select_n3A_992 : vector<16xi32>
        %and3A_1004 = arith.andi %eq3A_1002, %lt3A_1003 : vector<16xi1>
        %or3A_1005 = arith.ori %gt3A_1001, %and3A_1004 : vector<16xi1>
        %select_n3A_1006 = arith.select %or3A_1005, %get3A_995, %select_n3A_991 : vector<16xi1>, vector<16xf32>
        %select_n3A_1007 = arith.select %or3A_1005, %get3A_997, %select_n3A_992 : vector<16xi1>, vector<16xi32>
        %select_n3A_1008 = arith.select %or3A_1005, %add3A_1000, %select_n3A_993 : vector<16xi1>, vector<16xi32>
        %reduce_max3A = arith.constant true
        %reduce_max3A_1009 = vector.broadcast %reduce_max3A : i1 to vector<16xi1>
        %reduce_max3A_1010 = tpu.scan <max>, %select_n3A_1006 masked %reduce_max3A_1009 : vector<16xf32>, vector<16xi1> -> vector<16xf32>
        %reduce_max3A_1011 = vector.extract %reduce_max3A_1010[15] : f32 from vector<16xf32>
        %eq3A_1012 = vector.broadcast %reduce_max3A_1011 : f32 to vector<16xf32>
        %eq3A_1013 = arith.cmpf oeq, %select_n3A_1006, %eq3A_1012 : vector<16xf32>
        %jit3A_1014 = arith.constant 2147483647 : i32
        %broadcast_in_dim3A_1015 = vector.broadcast %jit3A_1014 : i32 to vector<16xi32>
        %select_n3A_1016 = arith.select %eq3A_1013, %select_n3A_1007, %broadcast_in_dim3A_1015 : vector<16xi1>, vector<16xi32>
        %reduce_min3A = arith.constant true
        %reduce_min3A_1017 = vector.broadcast %reduce_min3A : i1 to vector<16xi1>
        %reduce_min3A_1018 = arith.constant -2147483648 : i32
        %reduce_min3A_1019 = vector.broadcast %reduce_min3A_1018 : i32 to vector<16xi32>
        %reduce_min3A_1020 = arith.xori %select_n3A_1016, %reduce_min3A_1019 : vector<16xi32>
        %reduce_min3A_1021 = tpu.scan <min>, %reduce_min3A_1020 masked %reduce_min3A_1017 : vector<16xi32>, vector<16xi1> -> vector<16xi32>
        %reduce_min3A_1022 = arith.xori %reduce_min3A_1021, %reduce_min3A_1019 : vector<16xi32>
        %reduce_min3A_1023 = vector.extract %reduce_min3A_1022[15] : i32 from vector<16xi32>
        %eq3A_1024 = vector.broadcast %reduce_max3A_1011 : f32 to vector<16xf32>
        %eq3A_1025 = arith.cmpf oeq, %select_n3A_1006, %eq3A_1024 : vector<16xf32>
        %eq3A_1026 = vector.broadcast %reduce_min3A_1023 : i32 to vector<16xi32>
        %eq3A_1027 = arith.cmpi eq, %select_n3A_1007, %eq3A_1026 : vector<16xi32>
        %and3A_1028 = arith.andi %eq3A_1025, %eq3A_1027 : vector<16xi1>
        %jit3A_1029 = arith.constant 2147483647 : i32
        %broadcast_in_dim3A_1030 = vector.broadcast %jit3A_1029 : i32 to vector<16xi32>
        %select_n3A_1031 = arith.select %and3A_1028, %select_n3A_1008, %broadcast_in_dim3A_1030 : vector<16xi1>, vector<16xi32>
        %reduce_min3A_1032 = arith.constant true
        %reduce_min3A_1033 = vector.broadcast %reduce_min3A_1032 : i1 to vector<16xi1>
        %reduce_min3A_1034 = arith.constant -2147483648 : i32
        %reduce_min3A_1035 = vector.broadcast %reduce_min3A_1034 : i32 to vector<16xi32>
        %reduce_min3A_1036 = arith.xori %select_n3A_1031, %reduce_min3A_1035 : vector<16xi32>
        %reduce_min3A_1037 = tpu.scan <min>, %reduce_min3A_1036 masked %reduce_min3A_1033 : vector<16xi32>, vector<16xi1> -> vector<16xi32>
        %reduce_min3A_1038 = arith.xori %reduce_min3A_1037, %reduce_min3A_1035 : vector<16xi32>
        %reduce_min3A_1039 = vector.extract %reduce_min3A_1038[15] : i32 from vector<16xi32>
        %broadcast_in_dim3A_1040 = vector.broadcast %scan3A_779 : i32 to vector<16xi32>
        %broadcast_in_dim3A_1041 = vector.broadcast %reduce_max3A_1011 : f32 to vector<16xf32>
        tpu.vector_store_idx %arg13[%broadcast_in_dim3A_1040], %broadcast_in_dim3A_1041 masked %eq3A_25 : memref<32xf32, #tpu.memory_space<vmem>>[vector<16xi32>], vector<16xf32>, vector<16xi1>
        %broadcast_in_dim3A_1042 = vector.broadcast %scan3A_779 : i32 to vector<16xi32>
        %broadcast_in_dim3A_1043 = vector.broadcast %reduce_min3A_1023 : i32 to vector<16xi32>
        tpu.vector_store_idx %arg14[%broadcast_in_dim3A_1042], %broadcast_in_dim3A_1043 masked %eq3A_25 : memref<32xi32, #tpu.memory_space<vmem>>[vector<16xi32>], vector<16xi32>, vector<16xi1>
        %broadcast_in_dim3A_1044 = vector.broadcast %reduce_min3A_1039 : i32 to vector<16xi32>
        %broadcast_in_dim3A_1045 = arith.constant 0xFF800000 : f32
        %broadcast_in_dim3A_1046 = vector.broadcast %broadcast_in_dim3A_1045 : f32 to vector<16xf32>
        tpu.vector_store_idx %arg11[%broadcast_in_dim3A_1044], %broadcast_in_dim3A_1046 masked %eq3A_25 : memref<256xf32, #tpu.memory_space<vmem>>[vector<16xi32>], vector<16xf32>, vector<16xi1>
        %scan3A_1047 = arith.constant 0 : i32
        scf.yield %scan3A_1047 : i32
      }
      %scan3A_753 = arith.constant 32 : i32
      %get3A_754 = arith.constant 0 : index
      %get3A_755 = tpu.vector_load %arg13[%get3A_754] {strides = array<i32>} : memref<32xf32, #tpu.memory_space<vmem>>, vector<16xf32>,
      %gt3A_756 = arith.constant -9.99999968E+37 : f32
      %gt3A_757 = vector.broadcast %gt3A_756 : f32 to vector<16xf32>
      %gt3A_758 = arith.cmpf ogt, %get3A_755, %gt3A_757 : vector<16xf32>
      %jit3A_759 = arith.constant 1.000000e+00 : f32
      %jit3A_760 = arith.constant 0.000000e+00 : f32
      %broadcast_in_dim3A = vector.broadcast %jit3A_759 : f32 to vector<16xf32>
      %broadcast_in_dim3A_761 = vector.broadcast %jit3A_760 : f32 to vector<16xf32>
      %select_n3A_762 = arith.select %gt3A_758, %broadcast_in_dim3A, %broadcast_in_dim3A_761 : vector<16xi1>, vector<16xf32>
      %swap3A_763 = arith.constant 0 : index
      %swap3A_764 = tpu.vector_load %arg15[%swap3A_763] {strides = array<i32>} : memref<32xf32, #tpu.memory_space<vmem>>, vector<16xf32>,
      tpu.vector_store %arg15[%swap3A_763], %select_n3A_762 {strides = array<i32>} : memref<32xf32, #tpu.memory_space<vmem>>, vector<16xf32>,
      %get3A_765 = arith.constant 16 : index
      %get3A_766 = tpu.vector_load %arg13[%get3A_765] {strides = array<i32>} : memref<32xf32, #tpu.memory_space<vmem>>, vector<16xf32>,
      %gt3A_767 = arith.constant -9.99999968E+37 : f32
      %gt3A_768 = vector.broadcast %gt3A_767 : f32 to vector<16xf32>
      %gt3A_769 = arith.cmpf ogt, %get3A_766, %gt3A_768 : vector<16xf32>
      %jit3A_770 = arith.constant 1.000000e+00 : f32
      %jit3A_771 = arith.constant 0.000000e+00 : f32
      %broadcast_in_dim3A_772 = vector.broadcast %jit3A_770 : f32 to vector<16xf32>
      %broadcast_in_dim3A_773 = vector.broadcast %jit3A_771 : f32 to vector<16xf32>
      %select_n3A_774 = arith.select %gt3A_769, %broadcast_in_dim3A_772, %broadcast_in_dim3A_773 : vector<16xi1>, vector<16xf32>
      %swap3A_775 = arith.constant 16 : index
      %swap3A_776 = tpu.vector_load %arg15[%swap3A_775] {strides = array<i32>} : memref<32xf32, #tpu.memory_space<vmem>>, vector<16xf32>,
      tpu.vector_store %arg15[%swap3A_775], %select_n3A_774 {strides = array<i32>} : memref<32xf32, #tpu.memory_space<vmem>>, vector<16xf32>,
      "tpu.region"() ({
        %run_scoped3A = tpu.sem_alloc : memref<!tpu.dma_semaphore, #tpu.memory_space<semaphore_mem>>
        %dma_start3A = arith.constant 0 : i32
        %dma_start3A_779 = tpu.memref_slice %arg5[%add3A, %dma_start3A] : memref<4x32xf32, #tpu.memory_space<hbm>> -> memref<1x32xf32, #tpu.memory_space<hbm>>
        %dma_start3A_780 = tpu.memref_squeeze %dma_start3A_779 : memref<1x32xf32, #tpu.memory_space<hbm>> -> memref<32xf32, #tpu.memory_space<hbm>>
        %dma_start3A_781 = arith.constant 0 : i32
        %dma_start3A_782 = tpu.memref_slice %arg5[%add3A, %dma_start3A_781] : memref<4x32xf32, #tpu.memory_space<hbm>> -> memref<1x32xf32, #tpu.memory_space<hbm>>
        %dma_start3A_783 = tpu.memref_squeeze %dma_start3A_782 : memref<1x32xf32, #tpu.memory_space<hbm>> -> memref<32xf32, #tpu.memory_space<hbm>>
        tpu.enqueue_dma source(%arg15 : memref<32xf32, #tpu.memory_space<vmem>>) target(%dma_start3A_783 : memref<32xf32, #tpu.memory_space<hbm>>) target_semaphore(%run_scoped3A : memref<!tpu.dma_semaphore, #tpu.memory_space<semaphore_mem>>)
        %dma_wait3A = arith.constant 0 : i32
        %dma_wait3A_784 = tpu.memref_slice %arg5[%add3A, %dma_wait3A] : memref<4x32xf32, #tpu.memory_space<hbm>> -> memref<1x32xf32, #tpu.memory_space<hbm>>
        %dma_wait3A_785 = tpu.memref_squeeze %dma_wait3A_784 : memref<1x32xf32, #tpu.memory_space<hbm>> -> memref<32xf32, #tpu.memory_space<hbm>>
        %dma_wait3A_786 = arith.constant 0 : i32
        %dma_wait3A_787 = tpu.memref_slice %arg5[%add3A, %dma_wait3A_786] : memref<4x32xf32, #tpu.memory_space<hbm>> -> memref<1x32xf32, #tpu.memory_space<hbm>>
        %dma_wait3A_788 = tpu.memref_squeeze %dma_wait3A_787 : memref<1x32xf32, #tpu.memory_space<hbm>> -> memref<32xf32, #tpu.memory_space<hbm>>
        tpu.wait_dma2 semaphore(%run_scoped3A : memref<!tpu.dma_semaphore, #tpu.memory_space<semaphore_mem>>) src(%arg15 : memref<32xf32, #tpu.memory_space<vmem>>) dst(%dma_wait3A_788 : memref<32xf32, #tpu.memory_space<hbm>>)
        tpu.yield
      }) : () -> ()
      %mul3A_777 = arith.constant 32 : i32
      %mul3A_778 = arith.muli %select_n3A, %mul3A_777 : i32
      "tpu.region"() ({
        %run_scoped3A = tpu.sem_alloc : memref<!tpu.dma_semaphore, #tpu.memory_space<semaphore_mem>>
        %dma_start3A = tpu.memref_slice %arg20[%mul3A_778] : memref<64xi32, #tpu.memory_space<vmem_shared>> -> memref<32xi32, #tpu.memory_space<vmem_shared>>
        %dma_start3A_779 = tpu.memref_slice %arg20[%mul3A_778] : memref<64xi32, #tpu.memory_space<vmem_shared>> -> memref<32xi32, #tpu.memory_space<vmem_shared>>
        tpu.enqueue_dma source(%arg14 : memref<32xi32, #tpu.memory_space<vmem>>) target(%dma_start3A_779 : memref<32xi32, #tpu.memory_space<vmem_shared>>) target_semaphore(%run_scoped3A : memref<!tpu.dma_semaphore, #tpu.memory_space<semaphore_mem>>)
        %dma_wait3A = tpu.memref_slice %arg20[%mul3A_778] : memref<64xi32, #tpu.memory_space<vmem_shared>> -> memref<32xi32, #tpu.memory_space<vmem_shared>>
        %dma_wait3A_780 = tpu.memref_slice %arg20[%mul3A_778] : memref<64xi32, #tpu.memory_space<vmem_shared>> -> memref<32xi32, #tpu.memory_space<vmem_shared>>
        tpu.wait_dma2 semaphore(%run_scoped3A : memref<!tpu.dma_semaphore, #tpu.memory_space<semaphore_mem>>) src(%arg14 : memref<32xi32, #tpu.memory_space<vmem>>) dst(%dma_wait3A_780 : memref<32xi32, #tpu.memory_space<vmem_shared>>)
        tpu.yield
      }) : () -> ()
    } else {
    }
    %barrier3A_734 = arith.constant 0 : index
    tpu.barrier barrier_id(%barrier3A_734)
    %rem3A_735 = arith.constant 8 : i32
    %rem3A_736 = arith.remsi %arg1, %rem3A_735 : i32
    %lt3A = arith.constant 4 : i32
    %lt3A_737 = arith.cmpi slt, %rem3A_736, %lt3A : i32
    %convert_element_type3A_738 = arith.extui %lt3A_737 : i1 to i32
    %cond3A_739 = arith.constant 0 : i32
    %cond3A_740 = arith.cmpi ne, %convert_element_type3A_738, %cond3A_739 : i32
    scf.if %cond3A_740 {
      %rem3A_741 = arith.constant 8 : i32
      %rem3A_742 = arith.remsi %arg1, %rem3A_741 : i32
      %mul3A_743 = arith.constant 8 : i32
      %mul3A_744 = arith.muli %rem3A_742, %mul3A_743 : i32
      %mul3A_745 = arith.constant 32 : i32
      %mul3A_746 = arith.muli %select_n3A, %mul3A_745 : i32
      %add3A_747 = arith.addi %mul3A_746, %mul3A_744 : i32
      "tpu.region"() ({
        %run_scoped3A = tpu.sem_alloc : memref<!tpu.dma_semaphore, #tpu.memory_space<semaphore_mem>>
        %dma_start3A_755 = tpu.memref_slice %arg20[%add3A_747] : memref<64xi32, #tpu.memory_space<vmem_shared>> -> memref<8xi32, #tpu.memory_space<vmem_shared>>
        %dma_start3A_756 = tpu.memref_slice %arg20[%add3A_747] : memref<64xi32, #tpu.memory_space<vmem_shared>> -> memref<8xi32, #tpu.memory_space<vmem_shared>>
        tpu.enqueue_dma source(%dma_start3A_756 : memref<8xi32, #tpu.memory_space<vmem_shared>>) target(%arg16 : memref<8xi32, #tpu.memory_space<vmem>>) target_semaphore(%run_scoped3A : memref<!tpu.dma_semaphore, #tpu.memory_space<semaphore_mem>>)
        %dma_wait3A_757 = tpu.memref_slice %arg20[%add3A_747] : memref<64xi32, #tpu.memory_space<vmem_shared>> -> memref<8xi32, #tpu.memory_space<vmem_shared>>
        %dma_wait3A_758 = tpu.memref_slice %arg20[%add3A_747] : memref<64xi32, #tpu.memory_space<vmem_shared>> -> memref<8xi32, #tpu.memory_space<vmem_shared>>
        tpu.wait_dma2 semaphore(%run_scoped3A : memref<!tpu.dma_semaphore, #tpu.memory_space<semaphore_mem>>) src(%dma_wait3A_758 : memref<8xi32, #tpu.memory_space<vmem_shared>>) dst(%arg16 : memref<8xi32, #tpu.memory_space<vmem>>)
        tpu.yield
      }) : () -> ()
      %dma_start3A = arith.constant 0 : i32
      %dma_start3A_748 = arith.constant 0 : i32
      %dma_start3A_749 = tpu.memref_slice %arg3[%dma_start3A, %dma_start3A_748] : memref<32768x768xf32, #tpu.memory_space<hbm>> -> memref<32768x768xf32, #tpu.memory_space<hbm>>
      tpu.enqueue_indirect_dma source(%dma_start3A_749 : memref<32768x768xf32, #tpu.memory_space<hbm>>) target(%arg17 : memref<8x768xf32, #tpu.memory_space<vmem>>) offsets(%arg16 : memref<8xi32, #tpu.memory_space<vmem>>) semaphore(%arg21 : memref<!tpu.dma_semaphore, #tpu.memory_space<semaphore_mem>>)
      %dma_wait3A = arith.constant 0 : i32
      %dma_wait3A_750 = arith.constant 0 : i32
      %dma_wait3A_751 = tpu.memref_slice %arg3[%dma_wait3A, %dma_wait3A_750] : memref<32768x768xf32, #tpu.memory_space<hbm>> -> memref<32768x768xf32, #tpu.memory_space<hbm>>
      tpu.wait_indirect_dma semaphore(%arg21 : memref<!tpu.dma_semaphore, #tpu.memory_space<semaphore_mem>>) src(%dma_wait3A_751 : memref<32768x768xf32, #tpu.memory_space<hbm>>) dst(%arg17 : memref<8x768xf32, #tpu.memory_space<vmem>>)
      %mul3A_752 = arith.constant 32 : i32
      %mul3A_753 = arith.muli %add3A, %mul3A_752 : i32
      %add3A_754 = arith.addi %mul3A_753, %mul3A_744 : i32
      "tpu.region"() ({
        %run_scoped3A = tpu.sem_alloc : memref<!tpu.dma_semaphore, #tpu.memory_space<semaphore_mem>>
        %dma_start3A_755 = arith.constant 0 : i32
        %dma_start3A_756 = tpu.memref_slice %arg4[%add3A_754, %dma_start3A_755] : memref<128x768xf32, #tpu.memory_space<hbm>> -> memref<8x768xf32, #tpu.memory_space<hbm>>
        %dma_start3A_757 = arith.constant 0 : i32
        %dma_start3A_758 = tpu.memref_slice %arg4[%add3A_754, %dma_start3A_757] : memref<128x768xf32, #tpu.memory_space<hbm>> -> memref<8x768xf32, #tpu.memory_space<hbm>>
        tpu.enqueue_dma source(%arg17 : memref<8x768xf32, #tpu.memory_space<vmem>>) target(%dma_start3A_758 : memref<8x768xf32, #tpu.memory_space<hbm>>) target_semaphore(%run_scoped3A : memref<!tpu.dma_semaphore, #tpu.memory_space<semaphore_mem>>)
        %dma_wait3A_759 = arith.constant 0 : i32
        %dma_wait3A_760 = tpu.memref_slice %arg4[%add3A_754, %dma_wait3A_759] : memref<128x768xf32, #tpu.memory_space<hbm>> -> memref<8x768xf32, #tpu.memory_space<hbm>>
        %dma_wait3A_761 = arith.constant 0 : i32
        %dma_wait3A_762 = tpu.memref_slice %arg4[%add3A_754, %dma_wait3A_761] : memref<128x768xf32, #tpu.memory_space<hbm>> -> memref<8x768xf32, #tpu.memory_space<hbm>>
        tpu.wait_dma2 semaphore(%run_scoped3A : memref<!tpu.dma_semaphore, #tpu.memory_space<semaphore_mem>>) src(%arg17 : memref<8x768xf32, #tpu.memory_space<vmem>>) dst(%dma_wait3A_762 : memref<8x768xf32, #tpu.memory_space<hbm>>)
        tpu.yield
      }) : () -> ()
    } else {
    }
    return
  }
}

module attributes {stable_mosaic.version = 14 : i64} {
  func.func @_scorer_body(%arg0: i32, %arg1: memref<1x2048x768xf32, #tpu.memory_space<vmem>>, %arg2: memref<2048x1xf32, #tpu.memory_space<vmem>>, %arg3: memref<768x192xf32, #tpu.memory_space<vmem>>, %arg4: memref<1x192xf32, #tpu.memory_space<vmem>>, %arg5: memref<192x1xf32, #tpu.memory_space<vmem>>, %arg6: memref<1x1xf32, #tpu.memory_space<smem>>, %arg7: memref<2048x1xf32, #tpu.memory_space<vmem>>) attributes {dimension_semantics = [#tpu.dimension_semantics<arbitrary>], iteration_bounds = array<i64: 16>, scalar_prefetch = 0 : i64, scratch_operands = 0 : i64, tpu.core_type = #tpu.core_type<tc>, window_params = [{transform_indices = @transform_0, window_bounds = array<i64: 1, 2048, 768>}, {transform_indices = @transform_1, window_bounds = array<i64: 2048, 1>}, {pipeline_mode = #tpu.pipeline_mode<synchronous>, transform_indices = @transform_2, window_bounds = array<i64: 768, 192>}, {pipeline_mode = #tpu.pipeline_mode<synchronous>, transform_indices = @transform_3, window_bounds = array<i64: 1, 192>}, {pipeline_mode = #tpu.pipeline_mode<synchronous>, transform_indices = @transform_4, window_bounds = array<i64: 192, 1>}, {transform_indices = @transform_5, window_bounds = array<i64: 1, 1>}, {transform_indices = @transform_6, window_bounds = array<i64: 2048, 1>}]} {
    %get3A = arith.constant 0 : index
    %get3A_0 = arith.constant 0 : index
    %get3A_1 = arith.constant 0 : index
    %get3A_2 = vector.load %arg1[%get3A, %get3A_0, %get3A_1] : memref<1x2048x768xf32, #tpu.memory_space<vmem>>, vector<1x2048x768xf32>
    %get3A_3 = vector.shape_cast %get3A_2 : vector<1x2048x768xf32> to vector<2048x768xf32>
    %get3A_4 = arith.constant 0 : index
    %get3A_5 = arith.constant 0 : index
    %get3A_6 = vector.load %arg3[%get3A_4, %get3A_5] : memref<768x192xf32, #tpu.memory_space<vmem>>, vector<768x192xf32>
    %dot_general3A = arith.constant dense<0.000000e+00> : vector<2048x192xf32>
    %dot_general3A_7 = tpu.matmul %get3A_3, %get3A_6, %dot_general3A {dimension_numbers = #tpu.dot_dimension_numbers<[1], [0], [0], [1], [0, 0, 1, 1], [], []>, transpose_lhs_hint = false} : vector<2048x768xf32>, vector<768x192xf32>, vector<2048x192xf32> -> vector<2048x192xf32>
    %get3A_8 = arith.constant 0 : index
    %get3A_9 = arith.constant 0 : index
    %get3A_10 = vector.load %arg4[%get3A_8, %get3A_9] : memref<1x192xf32, #tpu.memory_space<vmem>>, vector<1x192xf32>
    %add3A = vector.broadcast %get3A_10 : vector<1x192xf32> to vector<2048x192xf32>
    %add3A_11 = arith.addf %dot_general3A_7, %add3A : vector<2048x192xf32>
    %mul3A = arith.constant 5.000000e-01 : f32
    %mul3A_12 = vector.broadcast %mul3A : f32 to vector<2048x192xf32>
    %mul3A_13 = arith.mulf %mul3A_12, %add3A_11 : vector<2048x192xf32>
    %div3A = arith.constant 1.41421354 : f32
    %div3A_14 = vector.broadcast %div3A : f32 to vector<2048x192xf32>
    %div3A_15 = arith.divf %add3A_11, %div3A_14 : vector<2048x192xf32>
    %erf3A = math.erf %div3A_15 : vector<2048x192xf32>
    %add3A_16 = arith.constant 1.000000e+00 : f32
    %add3A_17 = vector.broadcast %add3A_16 : f32 to vector<2048x192xf32>
    %add3A_18 = arith.addf %add3A_17, %erf3A : vector<2048x192xf32>
    %mul3A_19 = arith.mulf %mul3A_13, %add3A_18 : vector<2048x192xf32>
    %get3A_20 = arith.constant 0 : index
    %get3A_21 = arith.constant 0 : index
    %get3A_22 = vector.load %arg5[%get3A_20, %get3A_21] : memref<192x1xf32, #tpu.memory_space<vmem>>, vector<192x1xf32>
    %dot_general3A_23 = arith.constant dense<0.000000e+00> : vector<2048x1xf32>
    %dot_general3A_24 = tpu.matmul %mul3A_19, %get3A_22, %dot_general3A_23 {dimension_numbers = #tpu.dot_dimension_numbers<[1], [0], [0], [1], [0, 0, 1, 1], [], []>, transpose_lhs_hint = false} : vector<2048x192xf32>, vector<192x1xf32>, vector<2048x1xf32> -> vector<2048x1xf32>
    %get3A_25 = arith.constant 0 : index
    %get3A_26 = arith.constant 0 : index
    %get3A_27 = memref.load %arg6[%get3A_25, %get3A_26] : memref<1x1xf32, #tpu.memory_space<smem>>
    %add3A_28 = vector.broadcast %get3A_27 : f32 to vector<2048x1xf32>
    %add3A_29 = arith.addf %dot_general3A_24, %add3A_28 : vector<2048x1xf32>
    %rem3A = arith.constant 4 : i32
    %rem3A_30 = arith.remsi %arg0, %rem3A : i32
    %iota3A = tpu.iota {dimensions = array<i32: 0>} : vector<2048x1xi32>
    %mul3A_31 = arith.constant 2048 : i32
    %mul3A_32 = arith.muli %mul3A_31, %rem3A_30 : i32
    %add3A_33 = vector.broadcast %mul3A_32 : i32 to vector<2048x1xi32>
    %add3A_34 = arith.addi %iota3A, %add3A_33 : vector<2048x1xi32>
    %convert_element_type3A = arith.sitofp %add3A_34 : vector<2048x1xi32> to vector<2048x1xf32>
    %mul3A_35 = arith.constant 4.000000e+33 : f32
    %mul3A_36 = vector.broadcast %mul3A_35 : f32 to vector<2048x1xf32>
    %mul3A_37 = arith.mulf %convert_element_type3A, %mul3A_36 : vector<2048x1xf32>
    %sub3A = arith.constant -3.000000e+38 : f32
    %sub3A_38 = vector.broadcast %sub3A : f32 to vector<2048x1xf32>
    %sub3A_39 = arith.subf %sub3A_38, %mul3A_37 : vector<2048x1xf32>
    %get3A_40 = arith.constant 0 : index
    %get3A_41 = arith.constant 0 : index
    %get3A_42 = vector.load %arg2[%get3A_40, %get3A_41] : memref<2048x1xf32, #tpu.memory_space<vmem>>, vector<2048x1xf32>
    %eq3A = arith.constant 0.000000e+00 : f32
    %eq3A_43 = vector.broadcast %eq3A : f32 to vector<2048x1xf32>
    %eq3A_44 = arith.cmpf oeq, %get3A_42, %eq3A_43 : vector<2048x1xf32>
    %select_n3A = arith.select %eq3A_44, %sub3A_39, %add3A_29 : vector<2048x1xi1>, vector<2048x1xf32>
    %swap3A = arith.constant 0 : index
    %swap3A_45 = arith.constant 0 : index
    %swap3A_46 = vector.load %arg7[%swap3A, %swap3A_45] : memref<2048x1xf32, #tpu.memory_space<vmem>>, vector<2048x1xf32>
    tpu.vector_store %arg7[%swap3A, %swap3A_45], %select_n3A {strides = array<i32>} : memref<2048x1xf32, #tpu.memory_space<vmem>>, vector<2048x1xf32>,
    return
  }
  func.func @transform_0(%arg0: i32) -> (i32, i32, i32) {
    %c0_i32 = arith.constant 0 : i32
    %c0_i32_0 = arith.constant 0 : i32
    %c0_i32_1 = arith.constant 0 : i32
    return %arg0, %c0_i32, %c0_i32_0 : i32, i32, i32
  }
  func.func @transform_1(%arg0: i32) -> (i32, i32) {
    %c0_i32 = arith.constant 0 : i32
    %c0_i32_0 = arith.constant 0 : i32
    return %arg0, %c0_i32 : i32, i32
  }
  func.func @transform_2(%arg0: i32) -> (i32, i32) {
    %c0_i32 = arith.constant 0 : i32
    %c0_i32_0 = arith.constant 0 : i32
    %c0_i32_1 = arith.constant 0 : i32
    return %c0_i32, %c0_i32_0 : i32, i32
  }
  func.func @transform_3(%arg0: i32) -> (i32, i32) {
    %c0_i32 = arith.constant 0 : i32
    %c0_i32_0 = arith.constant 0 : i32
    %c0_i32_1 = arith.constant 0 : i32
    return %c0_i32, %c0_i32_0 : i32, i32
  }
  func.func @transform_4(%arg0: i32) -> (i32, i32) {
    %c0_i32 = arith.constant 0 : i32
    %c0_i32_0 = arith.constant 0 : i32
    %c0_i32_1 = arith.constant 0 : i32
    return %c0_i32, %c0_i32_0 : i32, i32
  }
  func.func @transform_5(%arg0: i32) -> (i32, i32) {
    %c0_i32 = arith.constant 0 : i32
    %c0_i32_0 = arith.constant 0 : i32
    %c0_i32_1 = arith.constant 0 : i32
    return %c0_i32, %c0_i32_0 : i32, i32
  }
  func.func @transform_6(%arg0: i32) -> (i32, i32) {
    %c0_i32 = arith.constant 0 : i32
    %c0_i32_0 = arith.constant 0 : i32
    return %arg0, %c0_i32 : i32, i32
  }
}

module attributes {stable_mosaic.version = 14 : i64} {
  func.func @_proj_body(%arg0: memref<128x768xf32, #tpu.memory_space<vmem>>, %arg1: memref<768x384xf32, #tpu.memory_space<vmem>>, %arg2: memref<1x384xf32, #tpu.memory_space<vmem>>, %arg3: memref<384x384xf32, #tpu.memory_space<vmem>>, %arg4: memref<1x384xf32, #tpu.memory_space<vmem>>, %arg5: memref<1x384xf32, #tpu.memory_space<vmem>>, %arg6: memref<1x384xf32, #tpu.memory_space<vmem>>, %arg7: memref<128x384xf32, #tpu.memory_space<vmem>>) attributes {dimension_semantics = [], scalar_prefetch = 0 : i64, scratch_operands = 0 : i64, tpu.core_type = #tpu.core_type<tc>} {
    %get3A = arith.constant 0 : index
    %get3A_0 = arith.constant 0 : index
    %get3A_1 = vector.load %arg0[%get3A, %get3A_0] : memref<128x768xf32, #tpu.memory_space<vmem>>, vector<128x768xf32>
    %get3A_2 = arith.constant 0 : index
    %get3A_3 = arith.constant 0 : index
    %get3A_4 = vector.load %arg1[%get3A_2, %get3A_3] : memref<768x384xf32, #tpu.memory_space<vmem>>, vector<768x384xf32>
    %dot_general3A = arith.constant dense<0.000000e+00> : vector<128x384xf32>
    %dot_general3A_5 = tpu.matmul %get3A_1, %get3A_4, %dot_general3A {dimension_numbers = #tpu.dot_dimension_numbers<[1], [0], [0], [1], [0, 0, 1, 1], [], []>, transpose_lhs_hint = false} : vector<128x768xf32>, vector<768x384xf32>, vector<128x384xf32> -> vector<128x384xf32>
    %get3A_6 = arith.constant 0 : index
    %get3A_7 = arith.constant 0 : index
    %get3A_8 = vector.load %arg2[%get3A_6, %get3A_7] : memref<1x384xf32, #tpu.memory_space<vmem>>, vector<1x384xf32>
    %add3A = vector.broadcast %get3A_8 : vector<1x384xf32> to vector<128x384xf32>
    %add3A_9 = arith.addf %dot_general3A_5, %add3A : vector<128x384xf32>
    %mul3A = arith.constant 5.000000e-01 : f32
    %mul3A_10 = vector.broadcast %mul3A : f32 to vector<128x384xf32>
    %mul3A_11 = arith.mulf %mul3A_10, %add3A_9 : vector<128x384xf32>
    %div3A = arith.constant 1.41421354 : f32
    %div3A_12 = vector.broadcast %div3A : f32 to vector<128x384xf32>
    %div3A_13 = arith.divf %add3A_9, %div3A_12 : vector<128x384xf32>
    %erf3A = math.erf %div3A_13 : vector<128x384xf32>
    %add3A_14 = arith.constant 1.000000e+00 : f32
    %add3A_15 = vector.broadcast %add3A_14 : f32 to vector<128x384xf32>
    %add3A_16 = arith.addf %add3A_15, %erf3A : vector<128x384xf32>
    %mul3A_17 = arith.mulf %mul3A_11, %add3A_16 : vector<128x384xf32>
    %get3A_18 = arith.constant 0 : index
    %get3A_19 = arith.constant 0 : index
    %get3A_20 = vector.load %arg3[%get3A_18, %get3A_19] : memref<384x384xf32, #tpu.memory_space<vmem>>, vector<384x384xf32>
    %dot_general3A_21 = arith.constant dense<0.000000e+00> : vector<128x384xf32>
    %dot_general3A_22 = tpu.matmul %mul3A_17, %get3A_20, %dot_general3A_21 {dimension_numbers = #tpu.dot_dimension_numbers<[1], [0], [0], [1], [0, 0, 1, 1], [], []>, transpose_lhs_hint = false} : vector<128x384xf32>, vector<384x384xf32>, vector<128x384xf32> -> vector<128x384xf32>
    %get3A_23 = arith.constant 0 : index
    %get3A_24 = arith.constant 0 : index
    %get3A_25 = vector.load %arg4[%get3A_23, %get3A_24] : memref<1x384xf32, #tpu.memory_space<vmem>>, vector<1x384xf32>
    %add3A_26 = vector.broadcast %get3A_25 : vector<1x384xf32> to vector<128x384xf32>
    %add3A_27 = arith.addf %dot_general3A_22, %add3A_26 : vector<128x384xf32>
    %reduce_sum3A = arith.constant dense<0.000000e+00> : vector<128xf32>
    %reduce_sum3A_28 = vector.multi_reduction <add>, %add3A_27, %reduce_sum3A [1] : vector<128x384xf32> to vector<128xf32>
    %broadcast_in_dim3A = vector.shape_cast %reduce_sum3A_28 : vector<128xf32> to vector<128x1xf32>
    %div3A_29 = arith.constant 3.840000e+02 : f32
    %div3A_30 = vector.broadcast %div3A_29 : f32 to vector<128x1xf32>
    %div3A_31 = arith.divf %broadcast_in_dim3A, %div3A_30 : vector<128x1xf32>
    %sub3A = vector.broadcast %div3A_31 : vector<128x1xf32> to vector<128x384xf32>
    %sub3A_32 = arith.subf %add3A_27, %sub3A : vector<128x384xf32>
    %integer_pow3A = arith.mulf %sub3A_32, %sub3A_32 : vector<128x384xf32>
    %reduce_sum3A_33 = arith.constant dense<0.000000e+00> : vector<128xf32>
    %reduce_sum3A_34 = vector.multi_reduction <add>, %integer_pow3A, %reduce_sum3A_33 [1] : vector<128x384xf32> to vector<128xf32>
    %broadcast_in_dim3A_35 = vector.shape_cast %reduce_sum3A_34 : vector<128xf32> to vector<128x1xf32>
    %div3A_36 = arith.constant 3.840000e+02 : f32
    %div3A_37 = vector.broadcast %div3A_36 : f32 to vector<128x1xf32>
    %div3A_38 = arith.divf %broadcast_in_dim3A_35, %div3A_37 : vector<128x1xf32>
    %sub3A_39 = vector.broadcast %div3A_31 : vector<128x1xf32> to vector<128x384xf32>
    %sub3A_40 = arith.subf %add3A_27, %sub3A_39 : vector<128x384xf32>
    %add3A_41 = arith.constant 9.99999974E-6 : f32
    %add3A_42 = vector.broadcast %add3A_41 : f32 to vector<128x1xf32>
    %add3A_43 = arith.addf %div3A_38, %add3A_42 : vector<128x1xf32>
    %sqrt3A = math.sqrt %add3A_43 : vector<128x1xf32>
    %div3A_44 = vector.broadcast %sqrt3A : vector<128x1xf32> to vector<128x384xf32>
    %div3A_45 = arith.divf %sub3A_40, %div3A_44 : vector<128x384xf32>
    %get3A_46 = arith.constant 0 : index
    %get3A_47 = arith.constant 0 : index
    %get3A_48 = vector.load %arg5[%get3A_46, %get3A_47] : memref<1x384xf32, #tpu.memory_space<vmem>>, vector<1x384xf32>
    %mul3A_49 = vector.broadcast %get3A_48 : vector<1x384xf32> to vector<128x384xf32>
    %mul3A_50 = arith.mulf %div3A_45, %mul3A_49 : vector<128x384xf32>
    %get3A_51 = arith.constant 0 : index
    %get3A_52 = arith.constant 0 : index
    %get3A_53 = vector.load %arg6[%get3A_51, %get3A_52] : memref<1x384xf32, #tpu.memory_space<vmem>>, vector<1x384xf32>
    %add3A_54 = vector.broadcast %get3A_53 : vector<1x384xf32> to vector<128x384xf32>
    %add3A_55 = arith.addf %mul3A_50, %add3A_54 : vector<128x384xf32>
    %swap3A = arith.constant 0 : index
    %swap3A_56 = arith.constant 0 : index
    %swap3A_57 = vector.load %arg7[%swap3A, %swap3A_56] : memref<128x384xf32, #tpu.memory_space<vmem>>, vector<128x384xf32>
    tpu.vector_store %arg7[%swap3A, %swap3A_56], %add3A_55 {strides = array<i32>} : memref<128x384xf32, #tpu.memory_space<vmem>>, vector<128x384xf32>,
    return
  }
}

</mosaic_0001>

<sc_bundles>
// kernel: kernel.5.cloned.1.call-start
scs
__scs_entry_jumppad:
0x0: {  	(pc) =	sbr.rel $0x88, $3  }
0x1: {  	(tag) =	ssettag $0x0;
	lr =	simm.s32 $0x1  }
0x2: {  	[smem:$0x3F95] =	sst lr;
	_ =	strace $0xD0000000  }
0x3: {  	_ = 	snop  }
0x4: {  	_ = 	snop  }
0x5: {  	_ = 	snop  }
0x6: {  	_ = 	snop  }
0x7: {  	_ = 	snop  }
__scs_overlays_trampoline_lowered:
0x8: {  	[smem:$0x3FA4] =	sst s0  }
0x9: {  	[smem:$0x3FA5] =	sst s1  }
0xa: {  	[smem:$0x3FA6] =	sst s2  }
0xb: {  	[smem:$0x3FA7] =	sst s3  }
0xc: {  	[smem:$0x3FA8] =	sst s4  }
0xd: {  	[smem:$0x3FA9] =	sst s5  }
0xe: {  	[smem:$0x3FAA] =	sst s6  }
0xf: {  	[smem:$0x3FAB] =	sst s7  }
0x10: {  	[smem:$0x3FAC] =	sst s8  }
0x11: {  	[smem:$0x3FAD] =	sst s9;
	s0 =	simm.s32 @!p0 $0x0  }
0x12: {  	s1 =	sld [smem:$0x3F93];
	s0 =	simm.s32 @p0 $0x1  }
0x13: {  	[smem:$0x3FAE] =	sst s0;
	s0 =	simm.s32 @!p1 $0x0  }
0x14: {  	s2 =	sld [smem:$0x3F92];
	s0 =	simm.s32 @p1 $0x1  }
0x15: {  	[smem:$0x3FAF] =	sst s0;
	s0 =	simm.s32 @!p2 $0x0  }
0x16: {  	s3 =	sld [smem:$0x3FDB];
	s0 =	simm.s32 @p2 $0x1  }
0x17: {  	s4 =	simm.s32 $0x1BF5;
	[smem:$0x3FB1] =	sst s0  }
0x18: {  	s0 =	sld [smem:$0x3F94];
	_ =	swait.ge [sflag:s4], $0x0  }
0x19: {  	s7 =	sld [smem:$0x3F95]  }
0x1a: {  	s8 =	sadd.s32 $0xFFFFE003, lr  }
0x1b: {  	s9 =	sadd.s32 $0xFFFFFEF7, lr;
	s5 =	simm.s32 $0xFFFFFFFF;
	p2 =	slt.u32 s8, $0xFFFFF086  }
0x1c: {  	p1 =	slt.u32 s9, $0xF7A;
	s5 =	simm.s32 @!p2 $0x0  }
0x1d: {  	s5 =	simm.s32 @p1 $0x1;
	p0 =	seq.s32 s7, s2  }
0x1e: {  	s7 =	smul.u32 @!p0 $0xF7A, s2;
	p2 =	seq.s32 @!p0 s5, $0x0  }
0x1f: {  	s9 =	smul.u32 $0xF7A, s1;
	s8 =	simm.s32 @!p0 $0x1BF5;
	p2 =	por !p2, p0  }
0x20: {  	[sflag:s8] =	ssyncset.s32 @!p0 $0xFFFFF086;
	s6 =	sadd.s32 @!p0 s3, s7;
	s7 =	simm.s32 @!p0 $0x108  }
0x21: {  	s3 =	sadd.s32 s3, s9;
	s6 =	sadd.s32 @!p0 $0x88, s6;
	s7 =	simm.s32 @p2 $0x1082  }
0x22: {  	[simem:s7], [sflag:s8] =	dma.local @!p0 [hbm:s6], $0xF7A  }
0x23: {  	s9 =	sor.u32 $0xD0000000, s2;
	s6 =	simm.s32 $0x108;
	_ =	swait.ge @!p0 [sflag:s8], $0x0  }
0x24: {  	s3 =	sadd.s32 $0x88, s3;
	s6 =	simm.s32 @!p1 $0x1082;
	[sflag:s4] =	ssyncset.s32 $0xFFFFF086  }
0x25: {  	[simem:s6], [sflag:s4] =	dma.local [hbm:s3], $0xF7A  }
0x26: {  	[smem:$0x3F95] =	sst s1;
	(tag) =	ssettag s2;
	_ =	strace s9  }
0x27: {  	s1 =	sld [smem:$0x3FA5]  }
0x28: {  	s2 =	sld [smem:$0x3FA6]  }
0x29: {  	s4 =	sld [smem:$0x3FA8]  }
0x2a: {  	p0 =	seq.s32 s5, $0x0;
	s5 =	sld [smem:$0x3FA9]  }
0x2b: {  	s6 =	sld [smem:$0x3FAA]  }
0x2c: {  	s7 =	sld [smem:$0x3FAB]  }
0x2d: {  	s3 =	simm.s32 $0x108;
	s8 =	sld [smem:$0x3FAC]  }
0x2e: {  	s3 =	simm.s32 @!p0 $0x1082;
	s9 =	sld [smem:$0x3FAD]  }
0x2f: {  	lr =	sadd.s32 s0, s3;
	s0 =	sld [smem:$0x3FA4]  }
0x30: {  	s3 =	sld [smem:$0x3FA7]  }
0x31: {  	[smem:$0x3FB0] =	sst s10  }
0x32: {  	s10 =	sld [smem:$0x3FAE];
	_ =	sdelay $0x3  }
0x33: {  	p0 =	seq.s32 s10, $0x1;
	s10 =	sld [smem:$0x3FB0];
	_ =	sdelay $0x3  }
0x34: {  	[smem:$0x3FB0] =	sst s10  }
0x35: {  	s10 =	sld [smem:$0x3FAF];
	_ =	sdelay $0x3  }
0x36: {  	p1 =	seq.s32 s10, $0x1;
	s10 =	sld [smem:$0x3FB0];
	_ =	sdelay $0x3  }
0x37: {  	[smem:$0x3FB0] =	sst s10  }
0x38: {  	s10 =	sld [smem:$0x3FB1]  }
0x39: {  	_ = 	snop;
	(pc) =	sbr.ind lr, $3  }
0x3a: {  	_ = 	snop  }
0x3b: {  	_ = 	snop  }
0x3c: {  	p2 =	seq.s32 s10, $0x1;
	s10 =	sld [smem:$0x3FB0]  }
0x3d: {  	_ =	shalt  }
0x3e: {  	_ =	shalt  }
0x3f: {  	_ =	shalt  }
0x40: {  	_ =	shalt  }
0x41: {  	_ =	shalt  }
0x42: {  	_ =	shalt  }
0x43: {  	_ =	shalt  }
0x44: {  	_ =	shalt  }
0x45: {  	_ =	shalt  }
0x46: {  	_ =	shalt  }
0x47: {  	_ =	shalt  }
0x48: {  	_ =	shalt  }
0x49: {  	_ =	shalt  }
0x4a: {  	_ =	shalt  }
0x4b: {  	_ =	shalt  }
0x4c: {  	_ =	shalt  }
0x4d: {  	_ =	shalt  }
0x4e: {  	_ =	shalt  }
0x4f: {  	_ =	shalt  }
0x50: {  	_ =	shalt  }
0x51: {  	_ =	shalt  }
0x52: {  	_ =	shalt  }
0x53: {  	_ =	shalt  }
0x54: {  	_ =	shalt  }
0x55: {  	_ =	shalt  }
0x56: {  	_ =	shalt  }
0x57: {  	_ =	shalt  }
0x58: {  	_ =	shalt  }
0x59: {  	_ =	shalt  }
0x5a: {  	_ =	shalt  }
0x5b: {  	_ =	shalt  }
0x5c: {  	_ =	shalt  }
0x5d: {  	_ =	shalt  }
0x5e: {  	_ =	shalt  }
0x5f: {  	_ =	shalt  }
0x60: {  	_ =	shalt  }
0x61: {  	_ =	shalt  }
0x62: {  	_ =	shalt  }
0x63: {  	_ =	shalt  }
0x64: {  	_ =	shalt  }
0x65: {  	_ =	shalt  }
0x66: {  	_ =	shalt  }
0x67: {  	_ =	shalt  }
0x68: {  	_ =	shalt  }
0x69: {  	_ =	shalt  }
0x6a: {  	_ =	shalt  }
0x6b: {  	_ =	shalt  }
0x6c: {  	_ =	shalt  }
0x6d: {  	_ =	shalt  }
0x6e: {  	_ =	shalt  }
0x6f: {  	_ =	shalt  }
0x70: {  	_ =	shalt  }
0x71: {  	_ =	shalt  }
0x72: {  	_ =	shalt  }
0x73: {  	_ =	shalt  }
0x74: {  	_ =	shalt  }
0x75: {  	_ =	shalt  }
0x76: {  	_ =	shalt  }
0x77: {  	_ =	shalt  }
0x78: {  	_ =	shalt  }
0x79: {  	_ =	shalt  }
0x7a: {  	_ =	shalt  }
0x7b: {  	_ =	shalt  }
0x7c: {  	_ =	shalt  }
0x7d: {  	_ =	shalt  }
0x7e: {  	_ =	shalt  }
0x7f: {  	_ =	shalt  }
0x80: {  	_ =	shalt  }
0x81: {  	_ =	shalt  }
0x82: {  	_ =	shalt  }
0x83: {  	_ =	shalt  }
0x84: {  	_ =	shalt  }
0x85: {  	_ =	shalt  }
0x86: {  	_ =	shalt  }
0x87: {  	_ =	shalt  }
.Lfunc_end0:
.L_simem_size_0:
called_computation_lowered:
.L_overlay_start_0:
0x88: {  	s2 =	sld [smem:$0x3FD9]  }
0x89: {  	s3 =	sld [smem:$0x3FFE];
	_ =	sdelay $0x1  }
0x8a: {  	s1 =	srdreg.scid  }
0x8b: {  	s0 =	sand.u32 $0x1, s1  }
0x8c: {  	s14 =	sshll.u32 s0, $0xA;
	s2 =	sadd.s32 s3, s2  }
0x8d: {  	s2 =	sadd.s32 s2, s14  }
0x8e: {  	[smem:$0x3FBC] =	sst s2  }
0x8f: {  	_ = 	snop  }
0x90: {  	s2 =	sld [smem:$0x3FD0];
	_ =	sdelay $0x2  }
0x91: {  	s4 =	simm.s32 $0xA;
	s5 =	simm.s32 $0x10;
	s15 =	sld [smem:$0x3FC9]  }
0x92: {  	[smem:s5], [sflag:s4] =	dma.local [hbm:s2], $0x1  }
0x93: {  	_ =	swait.eq [sflag:s4], $0x1  }
0x94: {  	[sflag:s4] =	ssyncset.done $0x0  }
0x95: {  	s16 =	sld [smem:$0x10];
	[sflag:s4] =	ssyncadd.s32 $0xFFFFFFFF  }
0x96: {  	s17 =	sld [smem:$0x11];
	(tm) =	ssettm $0x1  }
0x97: {  	s18 =	sld [smem:$0x3FFB];
	_ =	sdelay $0x3  }
0x98: {  	_ =	strace s18  }
0x99: {  	s5 =	sld [smem:$0x3FFC];
	_ =	sdelay $0x3  }
0x9a: {  	_ =	strace s5  }
0x9b: {  	s5 =	sld [smem:$0x3FFD];
	_ =	sdelay $0x3  }
0x9c: {  	_ =	strace s5  }
0x9d: {  	_ =	strace $0x8FFFFFFF  }
0x9e: {  	s19 =	sld [smem:$0x3FDB];
	_ =	sdelay $0x1  }
0x9f: {  	s6 =	simm.s32 $_scs_section_size  }
0xa0: {  	s7 =	simm.s32 $_size__tile_overlayer_lowered;
	s8 =	simm.s32 $_tile_overlayer_lowered  }
0xa1: {  	s22 =	simm.s32 $0x1BFF;
	s21 =	sshll.u32 s8, $0x1;
	s5 =	sadd.s32 s6, s19  }
0xa2: {  	s9 =	simm.s32 $0x0;
	s20 =	sshll.u32 s7, $0x1;
	s7 =	sadd.s32 s21, s5  }
0xa3: {  	[timem:s9], [sflag:s22] =	dma.local [hbm:s7], s20  }
0xa4: {  	_ =	swait.ge [sflag:s22], s20  }
0xa5: {  	s6 =	ssub.s32 $0x0, s20;
	[sflag:s22] =	ssyncset.done $0x0  }
0xa6: {  	[sflag:s22] =	ssyncadd.s32 s6;
	_ =	sdelay $0x1  }
0xa7: {  	s23 =	simm.s32 $0x1B8B  }
0xa8: {  	_ =	swait.ge [sflag:s23], $0x1  }
0xa9: {  	[sflag:s23] =	ssyncset.done $0x0  }
0xaa: {  	s25 =	simm.s32 $0x1B8E;
	s24 =	sld [smem:$0x3FFE];
	[sflag:s23] =	ssyncadd.s32 $0xFFFFFFFF  }
0xab: {  	s26 =	simm.s32 $execute0_lowered;
	[smem:$0x3FD2] =	sst s25  }
0xac: {  	s7 =	sshll.u32 s26, $0x1;
	_ =	strace $0x80000046;
	[dreg:$0x1] =	wrdreg $0xFFFFFFFF  }
0xad: {  	s28 =	simm.s32 $_size_execute0_lowered;
	s5 =	sadd.s32 s5, s7;
	[dreg:$0x0] =	wrdreg $0x0  }
0xae: {  	s7 =	sshll.u32 s28, $0x1;
	[dreg:$0x2] =	wrdreg s5  }
0xaf: {  	[dreg:$0x3] =	wrdreg s7  }
0xb0: {  	[dreg:$0x4] =	wrdreg $0xC0  }
0xb1: {  	_ =	task [dreg:s9], $0x5FFFF  }
0xb2: {  	[dreg:$0x1] =	wrdreg $0xFFFFFFFF  }
0xb3: {  	[dreg:$0x0] =	wrdreg $0x60  }
0xb4: {  	[dreg:$0x2] =	wrdreg s16  }
0xb5: {  	[dreg:$0x3] =	wrdreg s15  }
0xb6: {  	[dreg:$0x4] =	wrdreg s24  }
0xb7: {  	[dreg:$0x5] =	wrdreg s17  }
0xb8: {  	[dreg:$0x6] =	wrdreg $0x22000  }
0xb9: {  	[dreg:$0x7] =	wrdreg $0x22200  }
0xba: {  	[dreg:$0x8] =	wrdreg $0x22400  }
0xbb: {  	[dreg:$0x9] =	wrdreg $0x9  }
0xbc: {  	_ =	task.clear_ibuf [dreg:s9], $0xAFFFF;
	_ =	strace $0x90000046  }
0xbd: {  	s29 =	simm.s32 $0x9;
	_ =	strace $0x80000048  }
0xbe: {  	_ =	swait.ge [sflag:s29], $0x1  }
0xbf: {  	[sflag:s29] =	ssyncadd.s32 $0xFFFFFFFF  }
0xc0: {  	_ =	strace $0x90000048  }
0xc1: {  	_ =	sfence  }
0xc2: {  	s30 =	sld [smem:$0x0];
	_ =	sdelay $0x2  }
0xc3: {  	s31 =	sshll.u32 s1, $0xD;
	s1 =	sshrl.u32 s1, $0x2  }
0xc4: {  	s3 =	sand.u32 $0x4000, s31;
	s1 =	sadd.s32 s1, s30  }
0xc5: {  	s0 =	sor.u32 s3, s0;
	s1 =	sshll.u32 s1, $0x11  }
0xc6: {  	s0 =	sor.u32 s1, s0  }
0xc7: {  	s0 =	sadd.s32 $0x8F2B, s0  }
0xc8: {  	[sflag:s0] =	ssyncadd.remote.s32 $0x1  }
0xc9: {  	_ =	sfence.sel $0xFFFF  }
0xca: {  	[dreg:$0x0] =	wrdreg $0xFFFFFFFF;
	(pc) =	sbr.abs _section_cstart, $3  }
0xcb: {  	[dreg:$0x1] =	wrdreg $0xFFFFFFFF  }
0xcc: {  	_ =	task.clear_ibuf [dreg:s9], $0x2FFFF;
	_ =	strace $0x9FFFFFFF  }
0xcd: {  	(tm) =	ssettm $0x7FFFFFFF  }
tec
execute0_lowered:
.L_overlay_start_1:
0x0: {  	(tag) =	ssettag $0x1  }
0x1: {  	s2 =	rddreg [dreg:$0x0]  }
0x2: {  	s30 =	rddreg [dreg:$0x1]  }
0x3: {  	s5 =	rddreg [dreg:$0x2]  }
0x4: {  	s10 =	rddreg [dreg:$0x3]  }
0x5: {  	s8 =	rddreg [dreg:$0x4]  }
0x6: {  	s0 =	srdreg.scid;
	s9 =	rddreg [dreg:$0x5]  }
0x7: {  	s1 =	stileid.u32;
	s13 =	rddreg [dreg:$0x6]  }
0x8: {  	s3 =	simm.s32 $0x0;
	s4 =	sand.u32 $0x1, s0;
	s11 =	sshrl.u32 s1, $0x3  }
0x9: {  	[smem:$0x7FF] =	sst s3;
	s25 =	sshll.u32 s1, $0x5;
	s0 =	sshll.u32 s4, $0x1  }
0xa: {  	s7 =	ssub.s32 $0x2, s4;
	_ =	strace $0x80000047;
	s12 =	sor.u32 s11, s0  }
0xb: {  	s0 =	sand.u32 $0x7, s1;
	s15 =	sshrl.u32 s7, $0x1;
	s6 =	sshll.u32 s12, $0x2  }
0xc: {  	s23 =	sshll.u32 s12, $0xD;
	s14 =	sshll.u32 s0, $0xA;
	s15 =	ssub.s32 s7, s15  }
0xd: {  	s7 =	sadd.s32 s25, s9;
	s12 =	sshll.u32 s12, $0x4;
	s26 =	sshll.u32 s0, $0x3  }
0xe: {  	s6 =	sadd.s32 s0, s6;
	s4 =	sor.u32 s14, s23;
	s23 =	sshll.u32 s11, $0x8  }
0xf: {  	s11 =	sshll.u32 s11, $0x5;
	s10 =	sadd.s32 s10, s12;
	s6 =	smul.u32 $0x300, s6  }
0x10: {  	s24 =	sshrl.u32 s4, $0x3;
	s16 =	sor.u32 $0x20, s4;
	s17 =	sor.u32 $0x30, s4  }
0x11: {  	s18 =	sor.u32 $0x40, s4;
	s19 =	sor.u32 $0x50, s4;
	s20 =	sor.u32 $0x60, s4  }
0x12: {  	s21 =	sor.u32 $0x70, s4;
	s22 =	sor.u32 $0x80, s4;
	s11 =	sadd.s32 s11, s13  }
0x13: {  	s9 =	sadd.s32 s23, s9;
	s1 =	sor.u32 $0xC0, s4;
	s12 =	sadd.s32 s26, s11  }
0x14: {  	s26 =	sor.u32 $0xE0, s4;
	v24 =	vmov s16;
	v25 =	vmov s17;
	s16 =	sor.u32 $0xF0, s4;
	s17 =	sor.u32 $0x100, s4  }
0x15: {  	v26 =	vmov s18;
	s18 =	sor.u32 $0x110, s4;
	v27 =	vmov s19;
	v28 =	vmov s20;
	s19 =	sor.u32 $0x120, s4;
	s20 =	sor.u32 $0x130, s4  }
0x16: {  	v29 =	vmov s21;
	s21 =	sor.u32 $0x140, s4;
	v30 =	vmov s22;
	s22 =	sor.u32 $0x150, s4;
	v34 =	vmov s1;
	s1 =	sor.u32 $0x190, s4  }
0x17: {  	s14 =	sadd.s32 s6, s5;
	s5 =	sadd.s32 s2, s24;
	v36 =	vmov s26;
	v37 =	vmov s16;
	v39 =	vmov s18;
	s18 =	sor.u32 $0x1E0, s4  }
0x18: {  	s6 =	sadd.s32 s25, s8;
	v38 =	vmov s17;
	s17 =	sor.u32 $0x1C0, s4;
	v40 =	vmov s19;
	v52 =	vmov s18;
	s18 =	sor.u32 $0x2A0, s4  }
0x19: {  	s25 =	sor.u32 $0xD0, s4;
	v41 =	vmov s20;
	s19 =	sor.u32 $0x1F0, s4;
	v50 =	vmov s17;
	s17 =	sor.u32 $0x280, s4;
	v0 =	vmov s18  }
0x1a: {  	s8 =	sadd.s32 s23, s8;
	v35 =	vmov s25;
	s25 =	sor.u32 $0x1A0, s4;
	v53 =	vmov s19;
	s19 =	sor.u32 $0x2B0, s4;
	v62 =	vmov s17;
	[tilespmem:$0x1FE70] =	vst v0  }
0x1b: {  	s26 =	sor.u32 $0x1D0, s4;
	s20 =	sor.u32 $0x200, s4;
	v42 =	vmov s21;
	v48 =	vmov s25;
	s25 =	sor.u32 $0x290, s4;
	v0 =	vmov s19;
	[tilespmem:$0x1FFE0] =	vst v62  }
0x1c: {  	v43 =	vmov s22;
	s21 =	sor.u32 $0x210, s4;
	s13 =	sadd.s32 $0x1800, s14;
	v51 =	vmov s26;
	s26 =	sor.u32 $0x2C0, s4;
	v63 =	vmov s25;
	[tilespmem:$0x1FE80] =	vst v0  }
0x1d: {  	v47 =	vmov s1;
	s14 =	smax.u32 s15, $0x1;
	s15 =	sor.u32 $0xB0, s4;
	v54 =	vmov s20;
	s20 =	sor.u32 $0x2D0, s4;
	v0 =	vmov s26;
	[tilespmem:$0x1FFF0] =	vst v63  }
0x1e: {  	s22 =	sor.u32 $0x220, s4;
	v55 =	vmov s21;
	s21 =	sor.u32 $0x2E0, s4;
	v33 =	vmov s15;
	s15 =	sor.u32 $0x180, s4;
	[tilespmem:$0x1FE90] =	vst v0;
	v0 =	vmov s20  }
0x1f: {  	s23 =	sor.u32 $0x90, s4;
	v56 =	vmov s22;
	s22 =	sor.u32 $0x2F0, s4;
	v46 =	vmov s15;
	s15 =	sor.u32 $0x240, s4;
	[tilespmem:$0x1FEA0] =	vst v0;
	v0 =	vmov s21  }
0x20: {  	s1 =	sor.u32 $0x250, s4;
	v31 =	vmov s23;
	s23 =	sor.u32 $0x160, s4;
	v58 =	vmov s15;
	s15 =	sor.u32 $0x300, s4;
	[tilespmem:$0x1FEB0] =	vst v0;
	v0 =	vmov s22  }
0x21: {  	s16 =	sor.u32 $0x1B0, s4;
	v59 =	vmov s1;
	s1 =	sor.u32 $0x310, s4;
	v44 =	vmov s23;
	s23 =	sor.u32 $0x230, s4;
	[tilespmem:$0x1FEC0] =	vst v0;
	v0 =	vmov s15  }
0x22: {  	s24 =	sor.u32 $0xA0, s4;
	v49 =	vmov s16;
	s16 =	sor.u32 $0x270, s4;
	v57 =	vmov s23;
	s23 =	sor.u32 $0x320, s4;
	[tilespmem:$0x1FED0] =	vst v0;
	v0 =	vmov s1  }
0x23: {  	v32 =	vmov s24;
	s24 =	sor.u32 $0x170, s4;
	v61 =	vmov s16;
	s16 =	sor.u32 $0x330, s4;
	[tilespmem:$0x1FEE0] =	vst v0;
	v0 =	vmov s23  }
0x24: {  	v45 =	vmov s24;
	s24 =	sor.u32 $0x260, s4;
	s17 =	sor.u32 $0x340, s4;
	[tilespmem:$0x1FEF0] =	vst v0;
	v0 =	vmov s16  }
0x25: {  	v60 =	vmov s24;
	s24 =	sor.u32 $0x350, s4;
	[tilespmem:$0x1FF00] =	vst v0;
	v0 =	vmov s17  }
0x26: {  	s18 =	sor.u32 $0x360, s4;
	[tilespmem:$0x1FF10] =	vst v0;
	v0 =	vmov s24  }
0x27: {  	s19 =	sor.u32 $0x370, s4;
	[tilespmem:$0x1FF20] =	vst v0;
	v0 =	vmov s18  }
0x28: {  	s25 =	sor.u32 $0x380, s4;
	[tilespmem:$0x1FF30] =	vst v0;
	v0 =	vmov s19  }
0x29: {  	s20 =	sor.u32 $0x390, s4;
	[tilespmem:$0x1FF40] =	vst v0;
	v0 =	vmov s25  }
0x2a: {  	s21 =	sor.u32 $0x3A0, s4;
	[tilespmem:$0x1FF50] =	vst v0;
	v0 =	vmov s20  }
0x2b: {  	s26 =	sor.u32 $0x3B0, s4;
	[tilespmem:$0x1FF60] =	vst v0;
	v0 =	vmov s21  }
0x2c: {  	s31 =	simm.s32 $0x0;
	p0 =	sne.s32 s0, $0x0;
	s22 =	sor.u32 $0x3C0, s4;
	[tilespmem:$0x1FF70] =	vst v0;
	v0 =	vmov s26  }
0x2d: {  	p1 =	sgt.u32 s0, $0x3;
	s28 =	sor.u32 $0x3E0, s4;
	s1 =	sor.u32 $0x3D0, s4;
	[tilespmem:$0x1FF80] =	vst v0;
	v0 =	vmov s22  }
.Ltmp0:
0x2e: {  	s29 =	sor.u32 $0x3F0, s4;
	s2 =	sor.u32 $0x10, s4;
	[tilespmem:$0x1FF90] =	vst v0;
	v0 =	vmov s1;
	(pc) =	sbr.rel .LBB2_1-.Ltmp0, $4  }
0x2f: {  	s15 =	sadd.s32 $0x100, s30;
	s23 =	simm.s32 $0x800;
	s16 =	sadd.s32 $0x200, s30;
	[tilespmem:$0x1FFA0] =	vst v0;
	v0 =	vmov s28  }
0x30: {  	s30 =	simm.s32 $0x1A00;
	s17 =	simm.s32 $0x2;
	s24 =	simm.s32 $0x880;
	[tilespmem:$0x1FFB0] =	vst v0;
	v0 =	vmov s4  }
0x31: {  	s18 =	simm.s32 $0x500;
	s19 =	simm.s32 $0x580;
	s20 =	simm.s32 $0x1;
	[tilespmem:$0x1FFC0] =	vst v0;
	v0 =	vmov s29  }
0x32: {  	v1 =	vimm.f32 $-Inf;
	v23 =	vmov s2;
	s21 =	simm.s32 $0x600;
	s28 =	simm.s32 $0xA00;
	s29 =	simm.s32 $0x1200;
	[tilespmem:$0x1FFD0] =	vst v0;
	v0 =	vlaneseq.u32  }
.LBB2_8:
0x33: {  	s0 =	simm.s32 $0x980  }
0x34: {  	[tilespmem:s0], [sflag:$0x2] =	stream.linear.gather [spmem:s12], $0x8, $0x38;
	[tilespmem:$0x2248] =	vst v63  }
0x35: {  	_ =	swait.ge [sflag:s17], $0x8  }
0x36: {  	[sflag:s17] =	ssyncset.done $0x0  }
0x37: {  	[sflag:s17] =	ssyncadd.s32 $0xFFFFFFF8  }
0x38: {  	v2 =	vld.msk [tilespmem:$0x980], $0xff;
	_ =	sdelay $0x4  }
0x39: {  	v3 =	vshrl.u32 v2, $0x3  }
0x3a: {  	v3 =	vmul.u32 $0x30, v3  }
0x3b: {  	v2 =	vand.u32 $0x7, v2  }
0x3c: {  	v4 =	vshrl.u32 v0, $0x3;
	v2 =	vor.u32 v2, v3;
	v3 =	vand.u32 $0x7, v0  }
0x3d: {  	v2 =	vperm.xlane v2, v3;
	v3 =	vmul.u32 $0x8, v4;
	_ =	sdelay $0x1  }
0x3e: {  	v2 =	vadd.s32 v3, v2;
	_ =	sdelay $0x3  }
0x3f: {  	vm0 =	vmmov $0xffff;
	s26 =	rddreg [dreg:$0x1]  }
0x40: {  	[tilespmem:s28], [sflag:$0x1] =	stream.indirect_vreg.gather [hbm4b:s26+s3], $0x80, v2, vm0, $0xb8;
	[tilespmem:$0x2248] =	vst v63  }
0x41: {  	_ = 	snop  }
0x42: {  	[tilespmem:s29], [sflag:$0x1] =	stream.indirect_vreg.gather [hbm4b:s15+s3], $0x80, v2, vm0, $0xb8;
	[tilespmem:$0x2248] =	vst v63  }
0x43: {  	_ = 	snop  }
0x44: {  	[tilespmem:s30], [sflag:$0x1] =	stream.indirect_vreg.gather [hbm4b:s16+s3], $0x80, v2, vm0, $0xb8;
	[tilespmem:$0x2248] =	vst v63  }
0x45: {  	_ =	swait.ge [sflag:s20], $0x1800  }
0x46: {  	[sflag:s20] =	ssyncset.done $0x0  }
0x47: {  	[sflag:s20] =	ssyncadd.s32 $0xFFFFE800  }
0x48: {  	[hbm4b:s13+s3] =	stream.linear.scatter [tilespmem:s28], [sflag:$0x2], $0x1800, $0x38;
	[tilespmem:$0x2248] =	vst v63  }
0x49: {  	_ =	swait.ge [sflag:s17], $0x1800  }
0x4a: {  	[sflag:s17] =	ssyncset.done $0x0  }
0x4b: {  	[sflag:s17] =	ssyncadd.s32 $0xFFFFE800  }
.LBB2_9:
0x4c: {  	s31 =	sadd.s32 $0x1, s31  }
0x4d: {  	p2 =	sne.s32 s31, s14  }
.Ltmp1:
0x4e: {  	_ = 	snop;
	(pc) =	sbr.rel @!p2 .LBB2_10-.Ltmp1, $1  }
0x4f: {  	_ =	sdelay $0x3  }
.LBB2_1:
0x50: {  	[tilespmem:s3], [sflag:$0x2] =	stream.linear.gather [hbm4b:s5+s3], $0x400, $0x38;
	[tilespmem:$0x2248] =	vst v63  }
0x51: {  	_ =	swait.ge [sflag:s17], $0x400  }
0x52: {  	[sflag:s17] =	ssyncset.done $0x0  }
0x53: {  	v21 =	vld [tilespmem:$0x1FFC0];
	[sflag:s17] =	ssyncadd.s32 $0xFFFFFC00  }
0x54: {  	v2 =	vld [tilespmem:$0x0]  }
0x55: {  	v3 =	vld [tilespmem:$0x10]  }
0x56: {  	v4 =	vld [tilespmem:$0x20]  }
0x57: {  	v5 =	vld [tilespmem:$0x30]  }
0x58: {  	v6 =	vld [tilespmem:$0x40]  }
0x59: {  	v7 =	vld [tilespmem:$0x50]  }
0x5a: {  	v8 =	vld [tilespmem:$0x60]  }
0x5b: {  	v9 =	vld [tilespmem:$0x70]  }
0x5c: {  	v10 =	vld [tilespmem:$0x80]  }
0x5d: {  	v11 =	vld [tilespmem:$0x90]  }
0x5e: {  	v12 =	vld [tilespmem:$0xA0]  }
0x5f: {  	v13 =	vld [tilespmem:$0xB0]  }
0x60: {  	v14 =	vld [tilespmem:$0xC0]  }
0x61: {  	v15 =	vld [tilespmem:$0xD0]  }
0x62: {  	v16 =	vld [tilespmem:$0xE0]  }
0x63: {  	v17 =	vld [tilespmem:$0xF0]  }
0x64: {  	v18 =	vld [tilespmem:$0x110];
	vm0 =	vgt.f32 v3, v2;
	vm1 =	vgt.f32 v11, v10  }
0x65: {  	v2 =	vsel vm0, v3, v2;
	v3 =	vld [tilespmem:$0x100];
	v10 =	vsel vm1, v11, v10  }
0x66: {  	v19 =	vld [tilespmem:$0x130];
	vm2 =	vgt.f32 v4, v2;
	vm10 =	vgt.f32 v12, v10  }
0x67: {  	v21 =	vsel vm0, v23, v21;
	v2 =	vsel vm2, v4, v2;
	v4 =	vld [tilespmem:$0x120];
	v10 =	vsel vm10, v12, v10  }
0x68: {  	v20 =	vld [tilespmem:$0x150];
	v21 =	vsel vm2, v24, v21;
	vm3 =	vgt.f32 v5, v2;
	vm12 =	vgt.f32 v13, v10  }
0x69: {  	v22 =	vld [tilespmem:$0x2D0];
	v2 =	vsel vm3, v5, v2;
	v21 =	vsel vm3, v25, v21;
	v10 =	vsel vm12, v13, v10  }
0x6a: {  	v11 =	vld [tilespmem:$0x170];
	vm4 =	vgt.f32 v6, v2;
	vm0 =	vgt.f32 v18, v3;
	vm6 =	vgt.f32 v14, v10  }
0x6b: {  	v12 =	vld [tilespmem:$0x190];
	v2 =	vsel vm4, v6, v2;
	v21 =	vsel vm4, v26, v21;
	v3 =	vsel vm0, v18, v3  }
0x6c: {  	v5 =	vld [tilespmem:$0x140];
	v10 =	vsel vm6, v14, v10;
	vm9 =	vgt.f32 v7, v2;
	vm2 =	vgt.f32 v4, v3  }
0x6d: {  	v13 =	vld [tilespmem:$0x1B0];
	vm13 =	vgt.f32 v15, v10;
	v2 =	vsel vm9, v7, v2;
	v21 =	vsel vm9, v27, v21  }
0x6e: {  	v7 =	vld [tilespmem:$0x180];
	v3 =	vsel vm2, v4, v3;
	v10 =	vsel vm13, v15, v10;
	vm11 =	vgt.f32 v8, v2  }
0x6f: {  	v6 =	vld [tilespmem:$0x160];
	vm7 =	vgt.f32 v19, v3;
	vm14 =	vgt.f32 v16, v10;
	v2 =	vsel vm11, v8, v2  }
0x70: {  	v8 =	vld [tilespmem:$0x1A0];
	v21 =	vsel vm11, v28, v21;
	v3 =	vsel vm7, v19, v3;
	v10 =	vsel vm14, v16, v10  }
0x71: {  	v18 =	vld [tilespmem:$0x1C0];
	vm5 =	vgt.f32 v9, v2;
	vm8 =	vgt.f32 v5, v3;
	vm15 =	vgt.f32 v17, v10  }
0x72: {  	v14 =	vld [tilespmem:$0x1D0];
	v9 =	vsel vm5, v9, v2;
	v2 =	vsel vm5, v29, v21;
	v21 =	vsel vm1, v31, v30  }
0x73: {  	v4 =	vld [tilespmem:$0x1E0];
	v3 =	vsel vm8, v5, v3;
	v21 =	vsel vm10, v32, v21;
	vm1 =	vgt.f32 v12, v7  }
0x74: {  	v19 =	vld [tilespmem:$0x200];
	vm10 =	vgt.f32 v20, v3;
	v21 =	vsel vm12, v33, v21;
	v7 =	vsel vm1, v12, v7  }
0x75: {  	v16 =	vld [tilespmem:$0x210];
	v3 =	vsel vm10, v20, v3;
	v21 =	vsel vm6, v34, v21;
	vm3 =	vgt.f32 v8, v7  }
0x76: {  	v15 =	vld [tilespmem:$0x1F0];
	vm11 =	vgt.f32 v6, v3;
	v21 =	vsel vm13, v35, v21;
	v7 =	vsel vm3, v8, v7  }
0x77: {  	v5 =	vld [tilespmem:$0x220];
	v6 =	vsel vm11, v6, v3;
	v21 =	vsel vm14, v36, v21;
	vm5 =	vgt.f32 v13, v7  }
0x78: {  	v12 =	vld [tilespmem:$0x230];
	vm12 =	vgt.f32 v11, v6;
	v3 =	vsel vm15, v37, v21;
	v7 =	vsel vm5, v13, v7  }
0x79: {  	v21 =	vsel vm0, v39, v38;
	v6 =	vsel vm12, v11, v6;
	v11 =	vld [tilespmem:$0x280];
	vm6 =	vgt.f32 v18, v7  }
0x7a: {  	vm4 =	vgt.f32 v16, v19;
	v21 =	vsel vm2, v40, v21;
	v7 =	vsel vm6, v18, v7;
	v18 =	vld [tilespmem:$0x290]  }
0x7b: {  	v10 =	vsel vm15, v17, v10;
	v17 =	vld [tilespmem:$0x260];
	v16 =	vsel vm4, v16, v19;
	v21 =	vsel vm7, v41, v21  }
0x7c: {  	v20 =	vld [tilespmem:$0x240];
	vm9 =	vgt.f32 v14, v7;
	v21 =	vsel vm8, v42, v21;
	vm8 =	vgt.f32 v5, v16  }
0x7d: {  	v8 =	vld [tilespmem:$0x250];
	v7 =	vsel vm9, v14, v7;
	v21 =	vsel vm10, v43, v21;
	v5 =	vsel vm8, v5, v16  }
0x7e: {  	v19 =	vld [tilespmem:$0x2A0];
	vm10 =	vgt.f32 v4, v7;
	v21 =	vsel vm11, v44, v21;
	vm11 =	vgt.f32 v12, v5  }
0x7f: {  	v14 =	vld [tilespmem:$0x2B0];
	v7 =	vsel vm10, v4, v7;
	v4 =	vsel vm12, v45, v21;
	vm7 =	vgt.f32 v18, v11  }
0x80: {  	v5 =	vsel vm11, v12, v5;
	vm12 =	vgt.f32 v15, v7;
	v11 =	vsel vm7, v18, v11;
	v18 =	vld [tilespmem:$0x300]  }
0x81: {  	vm13 =	vgt.f32 v20, v5;
	v7 =	vsel vm12, v15, v7;
	v15 =	vld [tilespmem:$0x310]  }
0x82: {  	v13 =	vld [tilespmem:$0x270];
	v12 =	vimm.s32 $0x0;
	v5 =	vsel vm13, v20, v5  }
0x83: {  	v16 =	vld [tilespmem:$0x2C0];
	v12 =	vsel vm7, $0xFFFFFFFF, v12;
	v20 =	vsel vm1, v47, v46;
	vm15 =	vgt.f32 v8, v5  }
0x84: {  	v21 =	vld [tilespmem:$0x390];
	vm2 =	vgt.f32 v19, v11;
	v20 =	vsel vm3, v48, v20;
	v5 =	vsel vm15, v8, v5  }
0x85: {  	[tilespmem:$0x1FE50] =	vst v12;
	v12 =	vld [tilespmem:$0x2E0];
	v11 =	vsel vm2, v19, v11;
	v20 =	vsel vm5, v49, v20;
	vm0 =	vgt.f32 v17, v5  }
0x86: {  	v8 =	vld [tilespmem:$0x320];
	vm1 =	vgt.f32 v14, v11;
	v5 =	vsel vm0, v17, v5;
	vm5 =	vgt.f32 v15, v18  }
0x87: {  	v11 =	vsel vm1, v14, v11;
	vm3 =	vgt.f32 v13, v5;
	v15 =	vsel vm5, v15, v18;
	v18 =	vld [tilespmem:$0x380]  }
0x88: {  	vm7 =	vgt.f32 v16, v11;
	v5 =	vsel vm3, v13, v5;
	v13 =	vsel vm4, v55, v54  }
0x89: {  	v19 =	vld [tilespmem:$0x2F0];
	v20 =	vsel vm6, v50, v20;
	v11 =	vsel vm7, v16, v11;
	v13 =	vsel vm8, v56, v13  }
0x8a: {  	[tilespmem:$0x400] =	vst v9;
	v14 =	vld [tilespmem:$0x330];
	v20 =	vsel vm9, v51, v20;
	vm9 =	vgt.f32 v22, v11;
	v9 =	vsel vm11, v57, v13  }
0x8b: {  	v17 =	vld [tilespmem:$0x340];
	vm6 =	vgt.f32 v8, v15;
	v11 =	vsel vm9, v22, v11;
	v9 =	vsel vm13, v58, v9  }
0x8c: {  	v16 =	vld [tilespmem:$0x350];
	vm14 =	vgt.f32 v12, v11;
	v9 =	vsel vm15, v59, v9;
	vm8 =	vgt.f32 v21, v18  }
0x8d: {  	[tilespmem:$0x410] =	vst v10;
	v11 =	vsel vm14, v12, v11;
	v12 =	vld [tilespmem:$0x3A0];
	v10 =	vsel vm8, v21, v18;
	v18 =	vsel vm0, v60, v9  }
0x8e: {  	[tilespmem:$0x420] =	vst v6;
	v8 =	vsel vm6, v8, v15;
	vm4 =	vgt.f32 v19, v11;
	v6 =	vsel vm3, v61, v18;
	v18 =	vld [tilespmem:$0x1FE50]  }
0x8f: {  	v20 =	vsel vm10, v52, v20;
	vm10 =	vgt.f32 v14, v8;
	v11 =	vsel vm4, v19, v11;
	v19 =	vld [tilespmem:$0x3B0]  }
0x90: {  	[tilespmem:$0x440] =	vst v5;
	v5 =	vld [tilespmem:$0x1FE80];
	v8 =	vsel vm10, v14, v8  }
0x91: {  	v20 =	vsel vm12, v53, v20;
	v22 =	vimm.s32 $0x0;
	v13 =	vld [tilespmem:$0x3C0];
	vm12 =	vgt.f32 v17, v8  }
0x92: {  	v22 =	vsel vm14, $0xFFFFFFFF, v22;
	v8 =	vsel vm12, v17, v8;
	v17 =	vld [tilespmem:$0x400];
	vm11 =	vgt.f32 v12, v10  }
0x93: {  	vm14 =	vgt.f32 v16, v8;
	v9 =	vsel vm11, v12, v10;
	vm15 =	vnez.u8 v18;
	v18 =	vld [tilespmem:$0x1FE70]  }
0x94: {  	v8 =	vsel vm14, v16, v8;
	v16 =	vld [tilespmem:$0x410];
	vm13 =	vgt.f32 v19, v9  }
0x95: {  	v2 =	vor.u32 v0, v2;
	v9 =	vsel vm13, v19, v9;
	v19 =	vld [tilespmem:$0x1FE90]  }
0x96: {  	[tilespmem:$0x480] =	vst v2;
	v15 =	vld [tilespmem:$0x360]  }
0x97: {  	v2 =	vld [tilespmem:$0x1FF40];
	[tilespmem:$0x430] =	vst v7;
	v7 =	vsel vm15, v63, v62  }
0x98: {  	v14 =	vld [tilespmem:$0x370];
	v7 =	vsel vm2, v18, v7  }
0x99: {  	v10 =	vld [tilespmem:$0x3D0];
	v5 =	vsel vm1, v5, v7  }
0x9a: {  	vm15 =	vgt.f32 v13, v9;
	vm1 =	vgt.f32 v16, v17;
	v5 =	vsel vm7, v19, v5;
	v19 =	vld [tilespmem:$0x1FED0]  }
0x9b: {  	vm0 =	vgt.f32 v15, v8;
	v7 =	vsel vm15, v13, v9;
	v13 =	vsel vm1, v16, v17;
	v17 =	vld [tilespmem:$0x1FEE0]  }
0x9c: {  	v8 =	vsel vm0, v15, v8;
	v15 =	vld [tilespmem:$0x3E0]  }
0x9d: {  	v18 =	vld [tilespmem:$0x1FEA0]  }
0x9e: {  	v12 =	vld [tilespmem:$0x420];
	vm3 =	vgt.f32 v14, v8  }
0x9f: {  	v8 =	vsel vm3, v14, v8;
	v14 =	vld [tilespmem:$0x430];
	vm7 =	vgt.f32 v10, v7  }
0xa0: {  	v7 =	vsel vm7, v10, v7;
	v10 =	vsel vm5, v17, v19;
	v19 =	vld [tilespmem:$0x1FEF0]  }
0xa1: {  	v9 =	vld [tilespmem:$0x3F0]  }
0xa2: {  	v16 =	vld [tilespmem:$0x440];
	v5 =	vsel vm9, v18, v5;
	vm9 =	vgt.f32 v15, v7  }
0xa3: {  	vm2 =	vgt.f32 v12, v13;
	v7 =	vsel vm9, v15, v7;
	v15 =	vld [tilespmem:$0x1FF00]  }
0xa4: {  	[tilespmem:$0x1FE60] =	vst v22;
	v18 =	vsel vm2, v12, v13;
	v17 =	vld [tilespmem:$0x1FF10]  }
0xa5: {  	v10 =	vsel vm6, v19, v10;
	vm6 =	vgt.f32 v14, v18;
	v19 =	vld [tilespmem:$0x1FE60]  }
0xa6: {  	v14 =	vsel vm6, v14, v18;
	v18 =	vld [tilespmem:$0x1FEB0]  }
0xa7: {  	v13 =	vld [tilespmem:$0x1FF20]  }
0xa8: {  	v10 =	vsel vm10, v15, v10;
	v15 =	vld [tilespmem:$0x1FF30]  }
0xa9: {  	v10 =	vsel vm12, v17, v10;
	vm5 =	vgt.f32 v16, v14;
	v17 =	vld [tilespmem:$0x1FF60]  }
0xaa: {  	v3 =	vor.u32 v0, v3;
	[tilespmem:$0x460] =	vst v8;
	v8 =	vsel vm5, v16, v14;
	v16 =	vld [tilespmem:$0x1FF50];
	vm12 =	vnez.u8 v19  }
0xab: {  	[tilespmem:$0x490] =	vst v3;
	v3 =	vor.u32 v0, v4;
	v5 =	vsel vm12, v18, v5;
	v18 =	vld [tilespmem:$0x1FF70]  }
0xac: {  	v4 =	vld [tilespmem:$0x1FF80];
	[tilespmem:$0x4A0] =	vst v3;
	vm10 =	vgt.f32 v9, v7  }
0xad: {  	v3 =	vld [tilespmem:$0x1FF90];
	[tilespmem:$0x450] =	vst v11;
	v7 =	vsel vm10, v9, v7  }
0xae: {  	[tilespmem:$0x470] =	vst v7;
	v7 =	vsel vm14, v13, v10  }
0xaf: {  	v12 =	vld [tilespmem:$0x450];
	v7 =	vsel vm0, v15, v7;
	v11 =	vsel vm8, v17, v16  }
0xb0: {  	v9 =	vld [tilespmem:$0x460];
	v2 =	vsel vm3, v2, v7;
	v7 =	vsel vm11, v18, v11  }
0xb1: {  	v14 =	vld [tilespmem:$0x1FEC0];
	v4 =	vsel vm13, v4, v7  }
0xb2: {  	v13 =	vld [tilespmem:$0x1FFA0];
	v3 =	vsel vm15, v3, v4;
	v4 =	vor.u32 v0, v20  }
0xb3: {  	v10 =	vld [tilespmem:$0x470];
	[tilespmem:$0x4B0] =	vst v4;
	v4 =	vor.u32 v0, v6  }
0xb4: {  	[tilespmem:$0x4C0] =	vst v4;
	v4 =	vld [tilespmem:$0x1FFB0]  }
0xb5: {  	v19 =	vld [tilespmem:$0x480];
	vm12 =	vgt.f32 v12, v8  }
0xb6: {  	v8 =	vsel vm12, v12, v8;
	v12 =	vld [tilespmem:$0x490]  }
0xb7: {  	v16 =	vld [tilespmem:$0x1FFD0]  }
0xb8: {  	v5 =	vsel vm4, v14, v5;
	vm14 =	vgt.f32 v9, v8;
	v14 =	vld [tilespmem:$0x4A0];
	v3 =	vsel vm7, v13, v3  }
0xb9: {  	v8 =	vsel vm14, v9, v8;
	v15 =	vld [tilespmem:$0x4B0];
	v3 =	vsel vm9, v4, v3;
	v4 =	vor.u32 v0, v5  }
0xba: {  	vm15 =	vgt.f32 v10, v8;
	[tilespmem:$0x4D0] =	vst v4;
	v4 =	vld [tilespmem:$0x4C0]  }
0xbb: {  	v5 =	vsel vm15, v10, v8  }
0xbc: {  	v2 =	vor.u32 v0, v2;
	v7 =	vsel vm1, v12, v19;
	v3 =	vsel vm10, v16, v3;
	(xrf0) =	vmax.scan.msk.f32 $0xffff, v5  }
0xbd: {  	[tilespmem:$0x4E0] =	vst v2;
	v6 =	vsel vm2, v14, v7;
	v2 =	vor.u32 v0, v3;
	v3 =	vld [tilespmem:$0x4D0]  }
0xbe: {  	v6 =	vsel vm6, v15, v6;
	[tilespmem:$0x4F0] =	vst v2;
	v2 =	vld [tilespmem:$0x4E0]  }
0xbf: {  	v17 =	vld [tilespmem:$0x4F0];
	v4 =	vsel vm5, v4, v6;
	_ =	sdelay $0x2  }
0xc0: {  	v3 =	vsel vm12, v3, v4;
	v4, _, _ =	vpop (xrf0)  }
0xc1: {  	v2 =	vsel vm14, v2, v3;
	v3 =	vbroadcast v4, $0xF  }
0xc2: {  	v2 =	vsel vm15, v17, v2  }
0xc3: {  	v2 =	vxor.u32 $0x80000000, v2;
	vm8 =	veq.f32 v5, v3  }
0xc4: {  	v2 =	vnsel vm8, $0xFFFFFFFF, v2  }
0xc5: {  	(xrf0) =	vmin.scan.msk.u32 $0xffff, v2;
	_ =	sdelay $0x5  }
0xc6: {  	v2, _, _ =	vpop (xrf0)  }
0xc7: {  	(v2sf) =	vpush v2, $0xF;
	_ =	sdelay $0xe  }
0xc8: {  	s0 =	spop (v2sf)  }
0xc9: {  	s2 =	sxor.u32 $0x80000000, s0  }
0xca: {  	s25 =	simm.s32 $0x1;
	s22 =	ssub.s32 s2, s4;
	p2 =	sne.s32 s2, s4  }
0xcb: {  	s1 =	sshra.s32 s22, $0x1F;
	s25 =	simm.s32 @!p2 $0x0  }
0xcc: {  	v2 =	vmov s3;
	s0 =	sand.u32 $0x7F, s0;
	s25 =	sor.u32 s25, s1  }
0xcd: {  	p3 =	sne.s32 s0, $0x0;
	p6 =	sne.s32 s25, $0x1  }
0xce: {  	v4 =	vmov s22;
	s1 =	sshrl.u32 s1, $0x19;
	p2 =	por !p3, !p6  }
0xcf: {  	s0 =	sadd.s32 s1, s22;
	s1 =	simm.s32 $0x1;
	p2 =	por !p2, !p2  }
0xd0: {  	s0 =	sshra.s32 s0, $0x7;
	s1 =	simm.s32 @!p2 $0x0  }
0xd1: {  	[tilespmem:v2+s18+$0x0] =	vst.idx.msk $0x1, v3;
	v3 =	vmov s2;
	s1 =	ssub.s32 s0, s1  }
0xd2: {  	[tilespmem:v2+s19+$0x0] =	vst.idx.msk $0x1, v3;
	s0 =	sshll.u32 s1, $0x9  }
0xd3: {  	[tilespmem:v4+s3+$0x0] =	vst.idx.msk $0x1, v1;
	s0 =	sshra.s32 s0, $0x2  }
0xd4: {  	v2 =	vld [tilespmem:s0+$0x0]  }
0xd5: {  	v3 =	vld [tilespmem:s0+$0x10];
	_ =	sdelay $0x1  }
0xd6: {  	v4 =	vld [tilespmem:s0+$0x20];
	_ =	sdelay $0x1  }
0xd7: {  	v5 =	vld [tilespmem:s0+$0x30]  }
0xd8: {  	vm9 =	vgt.f32 v3, v2  }
0xd9: {  	v18 =	vld [tilespmem:s0+$0x40];
	v2 =	vsel vm9, v3, v2  }
0xda: {  	vm10 =	vgt.f32 v4, v2  }
0xdb: {  	v3 =	vld [tilespmem:s0+$0x50];
	v2 =	vsel vm10, v4, v2  }
0xdc: {  	s25 =	sshll.u32 s1, $0x7;
	vm11 =	vgt.f32 v5, v2  }
0xdd: {  	s2 =	sadd.s32 s4, s25;
	v4 =	vld [tilespmem:s0+$0x60];
	v2 =	vsel vm11, v5, v2  }
0xde: {  	s26 =	sor.u32 $0x10, s2;
	v5 =	vmov s2;
	vm12 =	vgt.f32 v18, v2  }
0xdf: {  	s25 =	sor.u32 $0x20, s2;
	v19 =	vld [tilespmem:s0+$0x70];
	v5 =	vsel vm9, s26, v5;
	v2 =	vsel vm12, v18, v2  }
0xe0: {  	s26 =	sor.u32 $0x30, s2;
	v5 =	vsel vm10, s25, v5;
	vm13 =	vgt.f32 v3, v2  }
0xe1: {  	s22 =	sor.u32 $0x40, s2;
	v2 =	vsel vm13, v3, v2;
	v3 =	vsel vm11, s26, v5  }
0xe2: {  	s25 =	sor.u32 $0x50, s2;
	v3 =	vsel vm12, s22, v3;
	vm14 =	vgt.f32 v4, v2  }
0xe3: {  	s26 =	sor.u32 $0x60, s2;
	v2 =	vsel vm14, v4, v2;
	v3 =	vsel vm13, s25, v3  }
0xe4: {  	s2 =	sor.u32 $0x70, s2;
	v3 =	vsel vm14, s26, v3;
	vm15 =	vgt.f32 v19, v2  }
0xe5: {  	s0 =	simm.s32 $0x1;
	s22 =	sshll.u32 s1, $0x4;
	v2 =	vsel vm15, v19, v2;
	v3 =	vsel vm15, s2, v3  }
.LBB2_2:
0xe6: {  	p2 =	sne.s32 s0, $0x1F;
	v3 =	vor.u32 v0, v3;
	[tilespmem:s22+$0x400] =	vst v2;
	s2 =	smov.u32 s0;
	s0 =	sadd.s32 $0x1, s0  }
0xe7: {  	[tilespmem:s22+$0x480] =	vst v3  }
0xe8: {  	v2 =	vld [tilespmem:$0x480]  }
0xe9: {  	v3 =	vld [tilespmem:$0x400]  }
0xea: {  	v4 =	vld [tilespmem:$0x410]  }
0xeb: {  	v5 =	vld [tilespmem:$0x490]  }
0xec: {  	v6 =	vld [tilespmem:$0x420]  }
0xed: {  	v7 =	vld [tilespmem:$0x4A0]  }
0xee: {  	v8 =	vld [tilespmem:$0x430]  }
0xef: {  	vm0 =	vgt.f32 v4, v3;
	v9 =	vld [tilespmem:$0x470]  }
0xf0: {  	v3 =	vsel vm0, v4, v3;
	v2 =	vsel vm0, v5, v2;
	v4 =	vld [tilespmem:$0x440]  }
0xf1: {  	vm0 =	vgt.f32 v6, v3;
	v5 =	vld [tilespmem:$0x460]  }
0xf2: {  	v3 =	vsel vm0, v6, v3;
	v2 =	vsel vm0, v7, v2;
	v6 =	vld [tilespmem:$0x450]  }
0xf3: {  	v7 =	vld [tilespmem:$0x4B0];
	vm0 =	vgt.f32 v8, v3  }
0xf4: {  	v3 =	vsel vm0, v8, v3;
	v8 =	vld [tilespmem:$0x4C0]  }
0xf5: {  	vm1 =	vgt.f32 v4, v3;
	v10 =	vld [tilespmem:$0x4D0]  }
0xf6: {  	v3 =	vsel vm1, v4, v3;
	v4 =	vld [tilespmem:$0x4E0]  }
0xf7: {  	vm2 =	vgt.f32 v6, v3;
	v11 =	vld [tilespmem:$0x4F0]  }
0xf8: {  	v2 =	vsel vm0, v7, v2;
	v3 =	vsel vm2, v6, v3  }
0xf9: {  	v2 =	vsel vm1, v8, v2;
	vm0 =	vgt.f32 v5, v3  }
0xfa: {  	v2 =	vsel vm2, v10, v2;
	v3 =	vsel vm0, v5, v3  }
0xfb: {  	v2 =	vsel vm0, v4, v2;
	vm0 =	vgt.f32 v9, v3  }
0xfc: {  	v3 =	vsel vm0, v9, v3;
	v2 =	vsel vm0, v11, v2  }
0xfd: {  	(xrf0) =	vmax.scan.msk.f32 $0xffff, v3;
	_ =	sdelay $0x3  }
0xfe: {  	v4 =	vmov s2;
	_ =	sdelay $0x1  }
0xff: {  	v5, _, _ =	vpop (xrf0)  }
0x100: {  	v5 =	vbroadcast v5, $0xF;
	_ =	sdelay $0x1  }
0x101: {  	v2 =	vxor.u32 $0x80000000, v2;
	vm0 =	veq.f32 v3, v5;
	[tilespmem:v4+s18+$0x0] =	vst.idx.msk $0x1, v5  }
0x102: {  	v2 =	vnsel vm0, $0xFFFFFFFF, v2  }
0x103: {  	(xrf0) =	vmin.scan.msk.u32 $0xffff, v2;
	_ =	sdelay $0x5  }
0x104: {  	v2, _, _ =	vpop (xrf0)  }
0x105: {  	(v2sf) =	vpush v2, $0xF;
	_ =	sdelay $0xe  }
0x106: {  	s1 =	spop (v2sf)  }
0x107: {  	s2 =	sxor.u32 $0x80000000, s1;
	s1 =	sand.u32 $0x7F, s1  }
0x108: {  	s25 =	simm.s32 $0x1;
	v2 =	vmov s2;
	s22 =	ssub.s32 s2, s4;
	p3 =	sne.s32 s2, s4  }
0x109: {  	v3 =	vmov s22;
	s2 =	sshra.s32 s22, $0x1F;
	s25 =	simm.s32 @!p3 $0x0  }
0x10a: {  	s26 =	sshrl.u32 s2, $0x19;
	s2 =	sor.u32 s25, s2  }
0x10b: {  	p4 =	sne.s32 s1, $0x0;
	s22 =	sadd.s32 s26, s22;
	p3 =	sne.s32 s2, $0x1  }
0x10c: {  	p3 =	por !p4, !p3  }
0x10d: {  	s2 =	simm.s32 $0x1;
	p3 =	por !p3, !p3  }
0x10e: {  	s1 =	sshra.s32 s22, $0x7;
	s2 =	simm.s32 @!p3 $0x0  }
0x10f: {  	s2 =	ssub.s32 s1, s2  }
0x110: {  	[tilespmem:v4+s19+$0x0] =	vst.idx.msk $0x1, v2;
	s1 =	sshll.u32 s2, $0x7;
	s22 =	sshll.u32 s2, $0x9  }
0x111: {  	[tilespmem:v3+s3+$0x0] =	vst.idx.msk $0x1, v1;
	s22 =	sshra.s32 s22, $0x2;
	s1 =	sadd.s32 s4, s1  }
0x112: {  	v2 =	vld [tilespmem:s22+$0x0]  }
0x113: {  	v3 =	vld [tilespmem:s22+$0x10]  }
0x114: {  	v4 =	vld [tilespmem:s22+$0x20];
	_ =	sdelay $0x1  }
0x115: {  	v5 =	vld [tilespmem:s22+$0x30];
	_ =	sdelay $0x1  }
0x116: {  	vm0 =	vgt.f32 v3, v2;
	v6 =	vld [tilespmem:s22+$0x40]  }
0x117: {  	v2 =	vsel vm0, v3, v2  }
0x118: {  	vm1 =	vgt.f32 v4, v2;
	v3 =	vld [tilespmem:s22+$0x50]  }
0x119: {  	v2 =	vsel vm1, v4, v2  }
0x11a: {  	vm2 =	vgt.f32 v5, v2;
	v4 =	vld [tilespmem:s22+$0x60]  }
0x11b: {  	v7 =	vmov s1;
	s25 =	sor.u32 $0x10, s1;
	v2 =	vsel vm2, v5, v2  }
0x11c: {  	v5 =	vsel vm0, s25, v7;
	s25 =	sor.u32 $0x20, s1;
	vm0 =	vgt.f32 v6, v2;
	v7 =	vld [tilespmem:s22+$0x70]  }
0x11d: {  	v5 =	vsel vm1, s25, v5;
	s22 =	sor.u32 $0x30, s1;
	v2 =	vsel vm0, v6, v2  }
0x11e: {  	v5 =	vsel vm2, s22, v5;
	s22 =	sor.u32 $0x40, s1;
	vm1 =	vgt.f32 v3, v2  }
.Ltmp2:
0x11f: {  	v5 =	vsel vm0, s22, v5;
	s22 =	sor.u32 $0x50, s1;
	v2 =	vsel vm1, v3, v2;
	(pc) =	sbr.rel @p2 .LBB2_2-.Ltmp2, $4  }
0x120: {  	v3 =	vsel vm1, s22, v5;
	s22 =	sor.u32 $0x60, s1;
	vm0 =	vgt.f32 v4, v2  }
0x121: {  	s1 =	sor.u32 $0x70, s1;
	v2 =	vsel vm0, v4, v2;
	v3 =	vsel vm0, s22, v3  }
0x122: {  	vm0 =	vgt.f32 v7, v2  }
0x123: {  	s22 =	sshll.u32 s2, $0x4;
	v2 =	vsel vm0, v7, v2;
	v3 =	vsel vm0, s1, v3  }
0x124: {  	v3 =	vor.u32 v0, v3;
	[tilespmem:s22+$0x400] =	vst v2  }
0x125: {  	[tilespmem:s22+$0x480] =	vst v3  }
0x126: {  	[spmem:s6] =	stream.linear.scatter [tilespmem:s18], [sflag:$0x2], $0x20, $0x38;
	[tilespmem:$0x2248] =	vst v63  }
0x127: {  	_ =	swait.ge [sflag:s17], $0x20  }
0x128: {  	[sflag:s17] =	ssyncset.done $0x0  }
0x129: {  	[sflag:s17] =	ssyncadd.s32 $0xFFFFFFE0  }
0x12a: {  	[spmem:s7] =	stream.linear.scatter [tilespmem:s19], [sflag:$0x2], $0x20, $0x38;
	[tilespmem:$0x2248] =	vst v63  }
.Ltmp3:
0x12b: {  	_ =	swait.ge [sflag:s17], $0x20;
	(pc) =	sbr.rel @!p0 .LBB2_4-.Ltmp3, $3  }
0x12c: {  	[sflag:s17] =	ssyncset.done $0x0  }
0x12d: {  	[sflag:s17] =	ssyncadd.s32 $0xFFFFFFE0  }
0x12e: {  	[bflag:$0x0] =	sbarrier.arrive $0xFFFF;
	_ =	sdelay $0x1  }
.Ltmp4:
0x12f: {  	(pc) =	sbr.rel @p1 .LBB2_9-.Ltmp4, $4  }
.Ltmp5:
0x130: {  	(pc) =	sbr.rel @!p1 .LBB2_8-.Ltmp5, $4  }
0x131: {  	_ = 	snop  }
0x132: {  	[bflag:$0x0] =	sbarrier.arrive $0xFFFF  }
0x133: {  	_ = 	snop  }
0x134: {  	_ = 	snop  }
.LBB2_4:
0x135: {  	[tilespmem:s21], [sflag:$0x2] =	stream.linear.gather [spmem:s8], $0x100, $0x38;
	[tilespmem:$0x2248] =	vst v63  }
0x136: {  	_ =	swait.ge [sflag:s17], $0x100  }
0x137: {  	[sflag:s17] =	ssyncset.done $0x0  }
0x138: {  	s0 =	simm.s32 $0x700;
	[sflag:s17] =	ssyncadd.s32 $0xFFFFFF00  }
0x139: {  	[tilespmem:s0], [sflag:$0x2] =	stream.linear.gather [spmem:s9], $0x100, $0x38;
	[tilespmem:$0x2248] =	vst v63  }
0x13a: {  	_ =	swait.ge [sflag:s17], $0x100  }
0x13b: {  	[sflag:s17] =	ssyncset.done $0x0  }
0x13c: {  	[sflag:s17] =	ssyncadd.s32 $0xFFFFFF00  }
0x13d: {  	v2 =	vld [tilespmem:$0x610]  }
0x13e: {  	v3 =	vld [tilespmem:$0x600]  }
0x13f: {  	v4 =	vld [tilespmem:$0x710]  }
0x140: {  	v5 =	vld [tilespmem:$0x700];
	_ =	sdelay $0x2  }
0x141: {  	v6 =	vld [tilespmem:$0x720]  }
0x142: {  	v7 =	vld [tilespmem:$0x620]  }
0x143: {  	vm0 =	veq.f32 v2, v3;
	vm1 =	vlt.s32 v4, v5  }
0x144: {  	vm2 =	vgt.f32 v2, v3;
	vm0 =	vmand vm0, vm1  }
0x145: {  	v8 =	vld [tilespmem:$0x730];
	vm0 =	vmor vm2, vm0  }
0x146: {  	v2 =	vsel vm0, v2, v3;
	v3 =	vsel vm0, v4, v5;
	v4 =	vld [tilespmem:$0x630]  }
0x147: {  	vm11 =	veq.f32 v7, v2;
	vm12 =	vlt.s32 v6, v3  }
0x148: {  	vm3 =	vgt.f32 v7, v2;
	vm1 =	vmand vm11, vm12  }
0x149: {  	v5 =	vld [tilespmem:$0x740];
	vm1 =	vmor vm3, vm1  }
0x14a: {  	v2 =	vsel vm1, v7, v2;
	v3 =	vsel vm1, v6, v3;
	v6 =	vld [tilespmem:$0x640]  }
0x14b: {  	vm13 =	veq.f32 v4, v2;
	vm14 =	vlt.s32 v8, v3  }
0x14c: {  	vm4 =	vgt.f32 v4, v2;
	vm2 =	vmand vm13, vm14  }
0x14d: {  	v7 =	vld [tilespmem:$0x750];
	vm2 =	vmor vm4, vm2  }
0x14e: {  	v2 =	vsel vm2, v4, v2;
	v3 =	vsel vm2, v8, v3;
	v4 =	vld [tilespmem:$0x650]  }
0x14f: {  	vm15 =	veq.f32 v6, v2;
	vm8 =	vlt.s32 v5, v3  }
0x150: {  	vm5 =	vgt.f32 v6, v2;
	vm3 =	vmand vm15, vm8  }
0x151: {  	v8 =	vld [tilespmem:$0x760];
	vm3 =	vmor vm5, vm3  }
0x152: {  	v2 =	vsel vm3, v6, v2;
	v3 =	vsel vm3, v5, v3;
	v5 =	vld [tilespmem:$0x660]  }
0x153: {  	vm9 =	veq.f32 v4, v2;
	vm10 =	vlt.s32 v7, v3  }
0x154: {  	vm6 =	vgt.f32 v4, v2;
	vm4 =	vmand vm9, vm10  }
0x155: {  	v6 =	vld [tilespmem:$0x770];
	vm4 =	vmor vm6, vm4  }
0x156: {  	v2 =	vsel vm4, v4, v2;
	v3 =	vsel vm4, v7, v3;
	v4 =	vld [tilespmem:$0x670]  }
0x157: {  	vm11 =	veq.f32 v5, v2;
	vm12 =	vlt.s32 v8, v3  }
0x158: {  	vm7 =	vgt.f32 v5, v2;
	vm5 =	vmand vm11, vm12  }
0x159: {  	v7 =	vld [tilespmem:$0x780];
	vm5 =	vmor vm7, vm5  }
0x15a: {  	v2 =	vsel vm5, v5, v2;
	v3 =	vsel vm5, v8, v3;
	v5 =	vld [tilespmem:$0x680]  }
0x15b: {  	vm13 =	veq.f32 v4, v2;
	vm14 =	vlt.s32 v6, v3  }
0x15c: {  	vm8 =	vgt.f32 v4, v2;
	vm6 =	vmand vm13, vm14  }
0x15d: {  	v8 =	vld [tilespmem:$0x790];
	vm6 =	vmor vm8, vm6  }
0x15e: {  	v2 =	vsel vm6, v4, v2;
	v3 =	vsel vm6, v6, v3;
	v4 =	vld [tilespmem:$0x690]  }
0x15f: {  	vm15 =	veq.f32 v5, v2;
	vm12 =	vlt.s32 v7, v3  }
0x160: {  	vm9 =	vgt.f32 v5, v2;
	vm7 =	vmand vm15, vm12  }
0x161: {  	v6 =	vld [tilespmem:$0x7A0];
	vm7 =	vmor vm9, vm7  }
0x162: {  	v2 =	vsel vm7, v5, v2;
	v3 =	vsel vm7, v7, v3;
	v5 =	vld [tilespmem:$0x6A0]  }
0x163: {  	vm13 =	veq.f32 v4, v2;
	vm14 =	vlt.s32 v8, v3  }
0x164: {  	vm10 =	vgt.f32 v4, v2;
	vm8 =	vmand vm13, vm14  }
0x165: {  	v7 =	vld [tilespmem:$0x7B0];
	vm8 =	vmor vm10, vm8  }
0x166: {  	v2 =	vsel vm8, v4, v2;
	v3 =	vsel vm8, v8, v3;
	v4 =	vld [tilespmem:$0x6B0]  }
0x167: {  	vm15 =	veq.f32 v5, v2;
	vm12 =	vlt.s32 v6, v3  }
0x168: {  	vm11 =	vgt.f32 v5, v2;
	vm9 =	vmand vm15, vm12  }
0x169: {  	v8 =	vld [tilespmem:$0x7C0];
	vm9 =	vmor vm11, vm9  }
0x16a: {  	v2 =	vsel vm9, v5, v2;
	v3 =	vsel vm9, v6, v3;
	v5 =	vld [tilespmem:$0x6C0]  }
0x16b: {  	vm10 =	veq.f32 v4, v2;
	vm11 =	vlt.s32 v7, v3  }
0x16c: {  	vm12 =	vgt.f32 v4, v2;
	vm10 =	vmand vm10, vm11  }
0x16d: {  	v6 =	vld [tilespmem:$0x7D0];
	vm10 =	vmor vm12, vm10  }
0x16e: {  	v2 =	vsel vm10, v4, v2;
	v3 =	vsel vm10, v7, v3;
	v4 =	vld [tilespmem:$0x6D0]  }
0x16f: {  	vm11 =	veq.f32 v5, v2;
	vm12 =	vlt.s32 v8, v3  }
0x170: {  	vm13 =	vgt.f32 v5, v2;
	vm11 =	vmand vm11, vm12  }
0x171: {  	v7 =	vld [tilespmem:$0x7E0];
	vm11 =	vmor vm13, vm11  }
0x172: {  	v2 =	vsel vm11, v5, v2;
	v3 =	vsel vm11, v8, v3;
	v5 =	vld [tilespmem:$0x6E0]  }
0x173: {  	vm12 =	veq.f32 v4, v2;
	vm13 =	vlt.s32 v6, v3  }
0x174: {  	vm14 =	vgt.f32 v4, v2;
	vm12 =	vmand vm12, vm13  }
0x175: {  	v8 =	vld [tilespmem:$0x7F0];
	vm12 =	vmor vm14, vm12  }
0x176: {  	v2 =	vsel vm12, v4, v2;
	v3 =	vsel vm12, v6, v3;
	v4 =	vld [tilespmem:$0x6F0]  }
0x177: {  	vm13 =	veq.f32 v5, v2;
	vm14 =	vlt.s32 v7, v3  }
0x178: {  	vm15 =	vgt.f32 v5, v2;
	vm13 =	vmand vm13, vm14  }
0x179: {  	vm13 =	vmor vm15, vm13  }
0x17a: {  	v2 =	vsel vm13, v5, v2;
	v3 =	vsel vm13, v7, v3  }
0x17b: {  	vm14 =	veq.f32 v4, v2;
	vm15 =	vlt.s32 v8, v3  }
0x17c: {  	vm14 =	vmand vm14, vm15;
	vm15 =	vgt.f32 v4, v2  }
0x17d: {  	vm14 =	vmor vm15, vm14  }
0x17e: {  	v2 =	vsel vm14, v4, v2  }
0x17f: {  	(xrf0) =	vmax.scan.msk.f32 $0xffff, v2;
	_ =	sdelay $0x5  }
0x180: {  	v4, _, _ =	vpop (xrf0)  }
0x181: {  	v18 =	vbroadcast v4, $0xF  }
0x182: {  	v19 =	vsel vm14, v8, v3  }
0x183: {  	vm15 =	veq.f32 v2, v18;
	v2 =	vxor.u32 $0x80000000, v19  }
0x184: {  	v2 =	vnsel vm15, $0xFFFFFFFF, v2  }
0x185: {  	(xrf0) =	vmin.scan.msk.u32 $0xffff, v2;
	_ =	sdelay $0x5  }
0x186: {  	v2, _, _ =	vpop (xrf0)  }
0x187: {  	(v2sf) =	vpush v2, $0xF;
	_ =	sdelay $0x2  }
0x188: {  	v3 =	vor.u32 $0x80000010, v0;
	v2 =	vor.u32 $0x80000000, v0  }
0x189: {  	v4 =	vor.u32 $0x80000020, v0;
	v5 =	vsel vm0, v3, v2  }
0x18a: {  	v6 =	vsel vm1, v4, v5;
	v5 =	vor.u32 $0x80000030, v0  }
0x18b: {  	v7 =	vsel vm2, v5, v6;
	v6 =	vor.u32 $0x80000040, v0  }
0x18c: {  	v8 =	vsel vm3, v6, v7;
	v7 =	vor.u32 $0x80000050, v0  }
0x18d: {  	v9 =	vsel vm4, v7, v8;
	v8 =	vor.u32 $0x80000060, v0  }
0x18e: {  	v10 =	vsel vm5, v8, v9;
	v9 =	vor.u32 $0x80000070, v0  }
0x18f: {  	v11 =	vsel vm6, v9, v10;
	v10 =	vor.u32 $0x80000080, v0  }
0x190: {  	v12 =	vsel vm7, v10, v11;
	v11 =	vor.u32 $0x80000090, v0  }
0x191: {  	v13 =	vsel vm8, v11, v12;
	v12 =	vor.u32 $0x800000A0, v0  }
0x192: {  	v14 =	vsel vm9, v12, v13;
	v13 =	vor.u32 $0x800000B0, v0  }
0x193: {  	v15 =	vsel vm10, v13, v14;
	v14 =	vor.u32 $0x800000C0, v0  }
0x194: {  	v16 =	vsel vm11, v14, v15;
	v15 =	vor.u32 $0x800000D0, v0;
	s22 =	spop (v2sf)  }
0x195: {  	v20 =	vsel vm12, v15, v16;
	v16 =	vor.u32 $0x800000E0, v0;
	s0 =	sxor.u32 $0x80000000, s22  }
0x196: {  	v17 =	vor.u32 $0x800000F0, v0;
	v20 =	vsel vm13, v16, v20;
	vm13 =	veq.s32 v19, s0  }
0x197: {  	v19 =	vsel vm14, v17, v20;
	vm0 =	vmand vm15, vm13  }
0x198: {  	v19 =	vnsel vm0, $0xFFFFFFFF, v19  }
0x199: {  	(xrf0) =	vmin.scan.msk.u32 $0xffff, v19;
	_ =	sdelay $0x5  }
0x19a: {  	v19, _, _ =	vpop (xrf0)  }
0x19b: {  	(v2sf) =	vpush v19, $0xF;
	_ =	sdelay $0x8  }
0x19c: {  	v63 =	vmov v61;
	v62 =	vmov v60  }
0x19d: {  	v61 =	vmovc v59;
	v60 =	vmovc v58;
	v59 =	vmov v57;
	v58 =	vmov v56;
	v57 =	vmov v55;
	s1 =	simm.s32 $0x0  }
0x19e: {  	v56 =	vmovc v54;
	v55 =	vmovc v53;
	v54 =	vmov v52;
	v53 =	vmov v51;
	v19 =	vmov s1  }
0x19f: {  	v52 =	vmovc v50;
	v51 =	vmovc v49;
	v50 =	vmov v48;
	v49 =	vmov v47;
	v48 =	vmov v46  }
0x1a0: {  	v47 =	vmovc v45;
	v46 =	vmovc v44;
	v45 =	vmov v43;
	v44 =	vmov v42;
	v43 =	vmov v41  }
0x1a1: {  	v42 =	vmovc v40;
	v41 =	vmovc v39;
	v40 =	vmov v38;
	v39 =	vmov v37;
	v38 =	vmov v36  }
0x1a2: {  	v37 =	vmovc v35;
	v36 =	vmovc v34;
	v35 =	vmov v33;
	v34 =	vmov v32;
	v33 =	vmov v31;
	s25 =	spop (v2sf)  }
0x1a3: {  	v32 =	vmovc v30;
	v31 =	vmovc v29;
	v30 =	vmov v28;
	v29 =	vmov v27;
	[tilespmem:v19+s23+$0x0] =	vst.idx.msk $0x1, v18;
	v18 =	vmov s0;
	s26 =	sxor.u32 $0x80000000, s25  }
0x1a4: {  	v28 =	vmovc v26;
	v27 =	vmovc v25;
	v26 =	vmov v24;
	v25 =	vmov v23;
	s2 =	simm.s32 $0x1;
	[tilespmem:v19+s24+$0x0] =	vst.idx.msk $0x1, v18;
	v18 =	vmov s26  }
.LBB2_5:
0x1a5: {  	_ =	sdelay $0x3  }
0x1a6: {  	[tilespmem:v18+s21+$0x0] =	vst.idx.msk $0x1, v1  }
0x1a7: {  	v18 =	vld [tilespmem:$0x610]  }
0x1a8: {  	v19 =	vld [tilespmem:$0x600]  }
0x1a9: {  	v20 =	vld [tilespmem:$0x710]  }
0x1aa: {  	v21 =	vld [tilespmem:$0x700];
	_ =	sdelay $0x3  }
0x1ab: {  	v22 =	vld [tilespmem:$0x720]  }
0x1ac: {  	v23 =	vld [tilespmem:$0x620];
	vm1 =	veq.f32 v18, v19;
	vm2 =	vlt.s32 v20, v21  }
0x1ad: {  	vm0 =	vgt.f32 v18, v19;
	vm1 =	vmand vm1, vm2  }
0x1ae: {  	v24 =	vimm.s32 $0x0;
	vm0 =	vmor vm0, vm1  }
0x1af: {  	v24 =	vsel vm0, $0xFFFFFFFF, v24;
	v18 =	vsel vm0, v18, v19;
	v19 =	vsel vm0, v20, v21;
	v20 =	vld [tilespmem:$0x630]  }
0x1b0: {  	[tilespmem:$0x1FE40] =	vst v24;
	v24 =	vld [tilespmem:$0x730]  }
0x1b1: {  	vm12 =	veq.f32 v23, v18;
	vm3 =	vlt.s32 v22, v19  }
0x1b2: {  	vm11 =	vgt.f32 v23, v18;
	vm2 =	vmand vm12, vm3  }
0x1b3: {  	v21 =	vld [tilespmem:$0x740];
	vm1 =	vmor vm11, vm2  }
0x1b4: {  	v18 =	vsel vm1, v23, v18;
	v19 =	vsel vm1, v22, v19;
	v22 =	vld [tilespmem:$0x640]  }
0x1b5: {  	vm14 =	veq.f32 v20, v18;
	vm4 =	vlt.s32 v24, v19  }
0x1b6: {  	vm13 =	vgt.f32 v20, v18;
	vm3 =	vmand vm14, vm4  }
0x1b7: {  	v23 =	vld [tilespmem:$0x750];
	vm2 =	vmor vm13, vm3  }
0x1b8: {  	v18 =	vsel vm2, v20, v18;
	v19 =	vsel vm2, v24, v19;
	v20 =	vld [tilespmem:$0x650]  }
0x1b9: {  	vm8 =	veq.f32 v22, v18;
	vm5 =	vlt.s32 v21, v19  }
0x1ba: {  	vm15 =	vgt.f32 v22, v18;
	vm4 =	vmand vm8, vm5  }
0x1bb: {  	v24 =	vld [tilespmem:$0x760];
	vm3 =	vmor vm15, vm4  }
0x1bc: {  	v18 =	vsel vm3, v22, v18;
	v19 =	vsel vm3, v21, v19;
	v21 =	vld [tilespmem:$0x660]  }
0x1bd: {  	vm9 =	veq.f32 v20, v18;
	vm10 =	vlt.s32 v23, v19  }
0x1be: {  	vm6 =	vgt.f32 v20, v18;
	vm4 =	vmand vm9, vm10  }
0x1bf: {  	v22 =	vld [tilespmem:$0x770];
	vm4 =	vmor vm6, vm4  }
0x1c0: {  	v18 =	vsel vm4, v20, v18;
	v19 =	vsel vm4, v23, v19;
	v20 =	vld [tilespmem:$0x670]  }
0x1c1: {  	vm12 =	veq.f32 v21, v18;
	vm7 =	vlt.s32 v24, v19  }
0x1c2: {  	vm11 =	vgt.f32 v21, v18;
	vm6 =	vmand vm12, vm7  }
0x1c3: {  	v23 =	vld [tilespmem:$0x780];
	vm5 =	vmor vm11, vm6  }
0x1c4: {  	v18 =	vsel vm5, v21, v18;
	v19 =	vsel vm5, v24, v19;
	v21 =	vld [tilespmem:$0x680]  }
0x1c5: {  	vm13 =	veq.f32 v20, v18;
	vm14 =	vlt.s32 v22, v19  }
0x1c6: {  	vm8 =	vgt.f32 v20, v18;
	vm6 =	vmand vm13, vm14  }
0x1c7: {  	v24 =	vld [tilespmem:$0x790];
	vm6 =	vmor vm8, vm6  }
0x1c8: {  	v18 =	vsel vm6, v20, v18;
	v19 =	vsel vm6, v22, v19;
	v20 =	vld [tilespmem:$0x690]  }
0x1c9: {  	vm0 =	veq.f32 v21, v18;
	vm9 =	vlt.s32 v23, v19  }
0x1ca: {  	vm15 =	vgt.f32 v21, v18;
	vm8 =	vmand vm0, vm9  }
0x1cb: {  	v22 =	vld [tilespmem:$0x7A0];
	vm7 =	vmor vm15, vm8  }
0x1cc: {  	v18 =	vsel vm7, v21, v18;
	v19 =	vsel vm7, v23, v19;
	v21 =	vld [tilespmem:$0x6A0]  }
0x1cd: {  	vm12 =	veq.f32 v20, v18;
	vm13 =	vlt.s32 v24, v19  }
0x1ce: {  	vm10 =	vgt.f32 v20, v18;
	vm8 =	vmand vm12, vm13  }
0x1cf: {  	v23 =	vld [tilespmem:$0x7B0];
	vm8 =	vmor vm10, vm8  }
0x1d0: {  	v18 =	vsel vm8, v20, v18;
	v19 =	vsel vm8, v24, v19;
	v20 =	vld [tilespmem:$0x6B0]  }
0x1d1: {  	vm14 =	veq.f32 v21, v18;
	vm15 =	vlt.s32 v22, v19  }
0x1d2: {  	vm11 =	vgt.f32 v21, v18;
	vm9 =	vmand vm14, vm15  }
0x1d3: {  	v24 =	vld [tilespmem:$0x7C0];
	vm9 =	vmor vm11, vm9  }
0x1d4: {  	v18 =	vsel vm9, v21, v18;
	v19 =	vsel vm9, v22, v19;
	v21 =	vld [tilespmem:$0x6C0]  }
0x1d5: {  	vm0 =	veq.f32 v20, v18;
	vm12 =	vlt.s32 v23, v19  }
0x1d6: {  	vm10 =	vgt.f32 v20, v18;
	vm11 =	vmand vm0, vm12  }
0x1d7: {  	v22 =	vld [tilespmem:$0x7D0];
	vm10 =	vmor vm10, vm11  }
0x1d8: {  	v18 =	vsel vm10, v20, v18;
	v19 =	vsel vm10, v23, v19;
	v20 =	vld [tilespmem:$0x6D0]  }
0x1d9: {  	vm11 =	veq.f32 v21, v18;
	vm0 =	vlt.s32 v24, v19  }
0x1da: {  	vm13 =	vgt.f32 v21, v18;
	vm11 =	vmand vm11, vm0  }
0x1db: {  	v23 =	vld [tilespmem:$0x7E0];
	vm11 =	vmor vm13, vm11  }
0x1dc: {  	v18 =	vsel vm11, v21, v18;
	v19 =	vsel vm11, v24, v19;
	v21 =	vld [tilespmem:$0x6E0]  }
0x1dd: {  	vm12 =	veq.f32 v20, v18;
	vm0 =	vlt.s32 v22, v19  }
0x1de: {  	vm14 =	vgt.f32 v20, v18;
	vm12 =	vmand vm12, vm0  }
0x1df: {  	v24 =	vld [tilespmem:$0x7F0];
	vm12 =	vmor vm14, vm12  }
0x1e0: {  	v18 =	vsel vm12, v20, v18;
	v19 =	vsel vm12, v22, v19;
	v20 =	vld [tilespmem:$0x6F0]  }
0x1e1: {  	vm13 =	veq.f32 v21, v18;
	vm0 =	vlt.s32 v23, v19  }
0x1e2: {  	vm15 =	vgt.f32 v21, v18;
	vm13 =	vmand vm13, vm0  }
0x1e3: {  	vm13 =	vmor vm15, vm13  }
0x1e4: {  	v18 =	vsel vm13, v21, v18;
	v19 =	vsel vm13, v23, v19  }
0x1e5: {  	vm14 =	veq.f32 v20, v18;
	vm15 =	vlt.s32 v24, v19  }
0x1e6: {  	vm0 =	vgt.f32 v20, v18;
	vm14 =	vmand vm14, vm15  }
0x1e7: {  	vm14 =	vmor vm0, vm14  }
0x1e8: {  	v18 =	vsel vm14, v20, v18  }
0x1e9: {  	(xrf0) =	vmax.scan.msk.f32 $0xffff, v18;
	_ =	sdelay $0x5  }
0x1ea: {  	v21, _, _ =	vpop (xrf0)  }
0x1eb: {  	v21 =	vbroadcast v21, $0xF  }
0x1ec: {  	v19 =	vsel vm14, v24, v19  }
0x1ed: {  	vm15 =	veq.f32 v18, v21;
	v18 =	vxor.u32 $0x80000000, v19  }
0x1ee: {  	v18 =	vnsel vm15, $0xFFFFFFFF, v18  }
0x1ef: {  	(xrf0) =	vmin.scan.msk.u32 $0xffff, v18;
	_ =	sdelay $0x5  }
0x1f0: {  	v18, _, _ =	vpop (xrf0)  }
0x1f1: {  	(v2sf) =	vpush v18, $0xF;
	v18 =	vld [tilespmem:$0x1FE40];
	_ =	sdelay $0x4  }
0x1f2: {  	vm0 =	vnez.u8 v18  }
0x1f3: {  	v18 =	vsel vm0, v3, v2  }
0x1f4: {  	v18 =	vsel vm1, v4, v18  }
0x1f5: {  	v18 =	vsel vm2, v5, v18  }
0x1f6: {  	v18 =	vsel vm3, v6, v18  }
0x1f7: {  	v18 =	vsel vm4, v7, v18  }
0x1f8: {  	v18 =	vsel vm5, v8, v18  }
0x1f9: {  	v18 =	vsel vm6, v9, v18  }
0x1fa: {  	v18 =	vsel vm7, v10, v18  }
0x1fb: {  	v18 =	vsel vm8, v11, v18  }
0x1fc: {  	v18 =	vsel vm9, v12, v18  }
0x1fd: {  	v18 =	vsel vm10, v13, v18  }
0x1fe: {  	s0 =	smov.u32 s2;
	s25 =	spop (v2sf);
	v18 =	vsel vm11, v14, v18  }
0x1ff: {  	v20 =	vmov s0;
	s0 =	sxor.u32 $0x80000000, s25;
	v18 =	vsel vm12, v15, v18  }
0x200: {  	vm12 =	veq.s32 v19, s0;
	v18 =	vsel vm13, v16, v18  }
0x201: {  	vm0 =	vmand vm15, vm12;
	v18 =	vsel vm14, v17, v18  }
0x202: {  	v18 =	vnsel vm0, $0xFFFFFFFF, v18  }
0x203: {  	(xrf0) =	vmin.scan.msk.u32 $0xffff, v18;
	_ =	sdelay $0x5  }
0x204: {  	v18, _, _ =	vpop (xrf0)  }
0x205: {  	(v2sf) =	vpush v18, $0xF;
	_ =	sdelay $0xb  }
0x206: {  	p2 =	sne.s32 s2, $0x1F  }
.Ltmp6:
0x207: {  	_ = 	snop;
	(pc) =	sbr.rel @p2 .LBB2_5-.Ltmp6, $4  }
0x208: {  	_ = 	snop  }
0x209: {  	s26 =	spop (v2sf)  }
0x20a: {  	[tilespmem:v20+s23+$0x0] =	vst.idx.msk $0x1, v21;
	v21 =	vmov s0;
	s0 =	sxor.u32 $0x80000000, s26  }
0x20b: {  	s2 =	sadd.s32 $0x1, s2;
	[tilespmem:v20+s24+$0x0] =	vst.idx.msk $0x1, v21;
	v18 =	vmov s0  }
0x20c: {  	_ =	sdelay $0x3  }
0x20d: {  	[tilespmem:v18+s21+$0x0] =	vst.idx.msk $0x1, v1  }
0x20e: {  	v2 =	vld [tilespmem:$0x800]  }
0x20f: {  	v3 =	vld [tilespmem:$0x810];
	_ =	sdelay $0x3  }
0x210: {  	v4 =	vimm.f32 $0.0e+00;
	vm0 =	vgt.f32 v2, $-9.999999680e+37  }
0x211: {  	vm15 =	vgt.f32 v3, $-9.999999680e+37;
	v2 =	vsel vm0, $0x3F800000, v4  }
0x212: {  	[tilespmem:$0x900] =	vst v2;
	v2 =	vsel vm15, $0x3F800000, v4  }
0x213: {  	s0 =	simm.s32 $0x900;
	[tilespmem:$0x910] =	vst v2  }
0x214: {  	[hbm4b:s10+s3] =	stream.linear.scatter [tilespmem:s0], [sflag:$0x2], $0x80, $0x38;
	[tilespmem:$0x2248] =	vst v63  }
0x215: {  	_ =	swait.ge [sflag:s17], $0x80  }
0x216: {  	[sflag:s17] =	ssyncset.done $0x0  }
0x217: {  	v23 =	vmovc v25;
	v24 =	vmov v26;
	v25 =	vmov v27;
	v26 =	vmov v28;
	[sflag:s17] =	ssyncadd.s32 $0xFFFFFF80  }
0x218: {  	v27 =	vmovc v29;
	v28 =	vmovc v30;
	v29 =	vmov v31;
	v30 =	vmov v32;
	v31 =	vmov v33;
	[spmem:s11] =	stream.linear.scatter [tilespmem:s24], [sflag:$0x2], $0x20, $0x38;
	[tilespmem:$0x2248] =	vst v63  }
0x219: {  	v32 =	vmovc v34;
	v33 =	vmovc v35;
	v34 =	vmov v36;
	v35 =	vmov v37;
	v36 =	vmov v38;
	_ =	swait.ge [sflag:s17], $0x20  }
.Ltmp7:
0x21a: {  	v37 =	vmovc v39;
	v38 =	vmovc v40;
	v39 =	vmov v41;
	v40 =	vmov v42;
	v41 =	vmov v43;
	[sflag:s17] =	ssyncset.done $0x0;
	(pc) =	sbr.rel .LBB2_8-.Ltmp7, $4  }
0x21b: {  	v42 =	vmovc v44;
	v43 =	vmovc v45;
	v44 =	vmov v46;
	v45 =	vmov v47;
	v46 =	vmov v48;
	[sflag:s17] =	ssyncadd.s32 $0xFFFFFFE0  }
0x21c: {  	v47 =	vmovc v49;
	v48 =	vmovc v50;
	v49 =	vmov v51;
	v50 =	vmov v52;
	v51 =	vmov v53;
	[bflag:$0x0] =	sbarrier.arrive $0xFFFF  }
0x21d: {  	v52 =	vmovc v54;
	v54 =	vmovc v56;
	v56 =	vmov v58;
	v58 =	vmov v60;
	v60 =	vmov v62;
	v62 =	vld [tilespmem:$0x1FFE0]  }
0x21e: {  	v53 =	vmovc v55;
	v55 =	vmovc v57;
	v57 =	vmov v59;
	v59 =	vmov v61;
	v61 =	vmov v63;
	v63 =	vld [tilespmem:$0x1FFF0]  }
.LBB2_10:
0x21f: {  	_ =	sfence.sel $0x180000  }
0x220: {  	[bflag:$0x0] =	sbarrier.arrive $0xFFFF  }
0x221: {  	_ =	strace $0x90000047  }
0x222: {  	s0 =	stileid.u32;
	[bflag:$0x2] =	sbarrier.arrive $0xFFFF  }
0x223: {  	p0 =	sne.s32 s0, $0x0;
	s0 =	rddreg [dreg:$0x7]  }
0x224: {  	s0 =	sadd.s32 @!p0 $0x100000, s0  }
0x225: {  	[sflag:s0] =	ssyncadd.tile.s32 @!p0 $0x1;
	_ =	shalt  }
.Lfunc_end2:
_tile_overlayer_lowered:
.L_overlay_start_2:
0x226: {  	(tag) =	ssettag $0x2  }
0x227: {  	s0 =	rddreg [dreg:$0x0];
	s2 =	stileid.u32  }
0x228: {  	s1 =	rddreg [dreg:$0x1];
	p0 =	sne.s32 s2, $0x0  }
0x229: {  	s3 =	rddreg [dreg:$0x2];
	[bflag:$0x3] =	sbarrier.arrive $0xFFFF;
	s2 =	simm.s32 @!p0 $0x1C02  }
0x22a: {  	[timem:s3], [sflag:s2] =	dma.local @!p0 [hbm:s0], s1  }
0x22b: {  	s0 =	simm.s32 @!p0 $0x2  }
0x22c: {  	_ =	swait.ge @!p0 [sflag:s0], s1  }
0x22d: {  	s1 =	ssub.s32 @!p0 $0x0, s1;
	[sflag:s0] =	ssyncset.done @!p0 $0x0  }
0x22e: {  	[sflag:s0] =	ssyncadd.s32 @!p0 s1  }
0x22f: {  	[bflag:$0x3] =	sbarrier.arrive $0xFFFF  }
0x230: {  	_ =	shalt  }

</sc_bundles>
